<compile_context>
chip_gen: v7x
topology: tpu7x:2x2x1
jax: 0.10.2.dev20260603
libtpu: 0.0.44.dev20260713+nightly
codegen_flags: <defaults>
</compile_context>

<pallas_src>
import functools

import jax
import jax.numpy as jnp
from jax import lax
from jax.experimental import pallas as pl
from jax.experimental.pallas import tpu as pltpu
from jax.experimental.pallas import tpu_sc as plsc

N = 1024
E = 65536
H = 6
D = 64
HID = H * D

_ROWS = N // 16
_EHALF = E // 2
_CHUNK = 8192
_RT = 512
_F32 = jnp.float32
_PREC = lax.Precision.DEFAULT
_PREC_AGG = lax.Precision.HIGHEST
_NT = N // _RT



def _count_body(g_hbm, zeros_hbm, out_hbm, cmat, srcb, dstb):
    c = lax.axis_index("c")
    s = lax.axis_index("s")
    base = s * _ROWS
    pltpu.sync_copy(zeros_hbm, cmat)
    e0 = c * _EHALF
    ones = jnp.ones((16,), _F32)

    def chunk(ci, carry):
        off = e0 + ci * _CHUNK
        pltpu.sync_copy(g_hbm.at[0, pl.ds(off, _CHUNK)], srcb)
        pltpu.sync_copy(g_hbm.at[1, pl.ds(off, _CHUNK)], dstb)

        def step(j, carry2):
            for u in range(4):
                d = dstb[pl.ds(j * 64 + u * 16, 16)]
                sv = srcb[pl.ds(j * 64 + u * 16, 16)]
                rel = d - base
                m = lax.bitcast_convert_type(rel, jnp.uint32) < jnp.uint32(_ROWS)
                relc = jnp.where(m, rel, 0)
                plsc.addupdate_scatter(cmat, [relc, sv], ones, mask=m)
            return carry2

        return lax.fori_loop(0, _CHUNK // 64, step, carry)

    lax.fori_loop(0, _EHALF // _CHUNK, chunk, 0)
    pltpu.sync_copy(cmat, out_hbm.at[c, pl.ds(base, _ROWS), :])


def _build_counts(g, zeros):
    call = pl.kernel(
        _count_body,
        out_type=jax.ShapeDtypeStruct((2, N, N), _F32),
        mesh=plsc.VectorSubcoreMesh(core_axis_name="c", subcore_axis_name="s"),
        compiler_params=pltpu.CompilerParams(needs_layout_passes=False),
        scratch_types=[
            pltpu.VMEM((_ROWS, N), _F32),
            pltpu.VMEM((_CHUNK,), jnp.int32),
            pltpu.VMEM((_CHUNK,), jnp.int32),
        ],
    )
    return call(g, zeros)



def _fc_compute(x_ref, w_ref, al_ref, ar_ref):
    z = jnp.dot(x_ref[...], w_ref[...], preferred_element_type=_F32,
                precision=_PREC)
    els, ers = [], []
    for h in range(H):
        zh = z[:, h * D:(h + 1) * D]
        els.append(jnp.sum(zh * al_ref[h][None, :], axis=1, keepdims=True))
        ers.append(jnp.sum(zh * ar_ref[h][None, :], axis=1, keepdims=True))
    return z, jnp.concatenate(els, axis=1), jnp.concatenate(ers, axis=1)


def _attn_compute(cm, elt_s, er_t, feat_s, last, agg_prec=_PREC_AGG):
    acc = None
    outs = []
    for h in range(H):
        el_h = elt_s[h]
        t = er_t[:, h:h + 1] + el_h[None, :]
        e = jnp.maximum(t, 0.2 * t)
        em = jnp.max(e, axis=1, keepdims=True)
        p = cm * jnp.exp(e - em)
        dn = jnp.sum(p, axis=1, keepdims=True)
        oh = jnp.dot(p, feat_s[:, h * D:(h + 1) * D],
                     preferred_element_type=_F32, precision=agg_prec)
        oh = oh * (1.0 / (dn + 1e-12))
        if last:
            acc = oh if acc is None else acc + oh
        else:
            outs.append(oh)
    return acc if last else outs


def _fc0_body(x_ref, w_ref, al_ref, ar_ref, z_ref, el_ref, er_ref):
    z, el, er = _fc_compute(x_ref, w_ref, al_ref, ar_ref)
    z_ref[...] = z
    el_ref[...] = el
    er_ref[...] = er


def _fc0_call(x, w, al, ar):
    k = x.shape[1]
    return pl.pallas_call(
        _fc0_body,
        grid=(N // _RT,),
        in_specs=[
            pl.BlockSpec((_RT, k), lambda i: (i, 0)),
            pl.BlockSpec((k, HID), lambda i: (0, 0)),
            pl.BlockSpec((H, D), lambda i: (0, 0)),
            pl.BlockSpec((H, D), lambda i: (0, 0)),
        ],
        out_specs=[
            pl.BlockSpec((_RT, HID), lambda i: (i, 0)),
            pl.BlockSpec((_RT, H), lambda i: (i, 0)),
            pl.BlockSpec((_RT, H), lambda i: (i, 0)),
        ],
        out_shape=[
            jax.ShapeDtypeStruct((N, HID), _F32),
            jax.ShapeDtypeStruct((N, H), _F32),
            jax.ShapeDtypeStruct((N, H), _F32),
        ],
    )(x, w, al, ar)


def _attn0_body(c0_ref, c1_ref, el_ref, er_ref, feat_ref, b_ref,
                out_ref, cm_out_ref, elt_s):
    i = pl.program_id(0)

    @pl.when(i == 0)
    def _mk_elt():
        elt_s[...] = el_ref[...].T

    cm = c0_ref[0] + c1_ref[0]
    cm_out_ref[...] = cm
    outs = _attn_compute(cm, elt_s, er_ref[...], feat_ref, last=False)
    o = jnp.concatenate(outs, axis=1) + b_ref[...][None, :]
    out_ref[...] = jnp.where(o > 0.0, o, jnp.exp(jnp.minimum(o, 0.0)) - 1.0)


def _attn0_call(cparts, el, er, feat, b):
    return pl.pallas_call(
        _attn0_body,
        grid=(N // _RT,),
        in_specs=[
            pl.BlockSpec((1, _RT, N), lambda i: (0, i, 0)),
            pl.BlockSpec((1, _RT, N), lambda i: (1, i, 0)),
            pl.BlockSpec((N, H), lambda i: (0, 0)),
            pl.BlockSpec((_RT, H), lambda i: (i, 0)),
            pl.BlockSpec((N, HID), lambda i: (0, 0)),
            pl.BlockSpec((HID,), lambda i: (0,)),
        ],
        out_specs=[
            pl.BlockSpec((_RT, HID), lambda i: (i, 0)),
            pl.BlockSpec((_RT, N), lambda i: (i, 0)),
        ],
        out_shape=[
            jax.ShapeDtypeStruct((N, HID), _F32),
            jax.ShapeDtypeStruct((N, N), _F32),
        ],
        scratch_shapes=[pltpu.VMEM((H, N), _F32)],
    )(cparts, cparts, el, er, feat, b)


def _layer_body(*refs, last, agg_prec):
    if last:
        (x_ref, w_ref, al_ref, ar_ref, cin_ref, b_ref,
         dis_ref, wp1_ref, wp2_ref, sc_ref,
         od_ref, feat_s, el_s, er_s, elt_s, emb_s, embt_s) = refs
    else:
        (x_ref, w_ref, al_ref, ar_ref, cin_ref, b_ref,
         out_ref, feat_s, el_s, er_s, elt_s) = refs

    i = pl.program_id(0)

    @pl.when(i < _NT)
    def _fc_phase():
        z, el, er = _fc_compute(x_ref, w_ref, al_ref, ar_ref)
        r0 = i * _RT
        feat_s[pl.ds(r0, _RT), :] = z
        el_s[pl.ds(r0, _RT), :] = el
        er_s[pl.ds(r0, _RT), :] = er

    @pl.when(i == _NT)
    def _mk_elt():
        elt_s[...] = el_s[...].T

    @pl.when((i >= _NT) & (i < 2 * _NT))
    def _attn_phase():
        r0 = (i - _NT) * _RT
        cm = cin_ref[...]
        er_t = er_s[pl.ds(r0, _RT), :]
        res = _attn_compute(cm, elt_s, er_t, feat_s, last, agg_prec=agg_prec)
        if last:
            bmean = sum(b_ref[h * D:(h + 1) * D][None, :]
                        for h in range(H)) * (1.0 / H)
            emb_s[pl.ds(r0, _RT), :] = res * (1.0 / H) + bmean
        else:
            o = jnp.concatenate(res, axis=1) + b_ref[...][None, :]
            out_ref[...] = jnp.where(o > 0.0,
                                     o, jnp.exp(jnp.minimum(o, 0.0)) - 1.0)

    if last:
        @pl.when(i == 2 * _NT)
        def _mk_embt():
            embt_s[...] = emb_s[...].T

        @pl.when(i >= 2 * _NT)
        def _od_phase():
            r0 = (i - 2 * _NT) * _RT
            lin1 = jnp.dot(wp1_ref[...], embt_s[...],
                           preferred_element_type=_F32, precision=_PREC)
            lin2 = jnp.sum(emb_s[pl.ds(r0, _RT), :] * wp2_ref[...],
                           axis=1, keepdims=True)
            od_ref[...] = jnp.tanh(lin2 + lin1 + dis_ref[...] * sc_ref[:, 0:1]
                                   + sc_ref[:, 1:2])


def _layer_call(x, w, al, ar, cin, b, last, extra=None,
                agg_prec=_PREC_AGG):
    body = functools.partial(_layer_body, last=last, agg_prec=agg_prec)
    nsteps = 3 * _NT if last else 2 * _NT

    def amap(i):
        return (jnp.clip(i - _NT, 0, _NT - 1), 0)

    in_specs = [
        pl.BlockSpec((_RT, HID), lambda i: (jnp.minimum(i, _NT - 1), 0)),
        pl.BlockSpec((HID, HID), lambda i: (0, 0)),
        pl.BlockSpec((H, D), lambda i: (0, 0)),
        pl.BlockSpec((H, D), lambda i: (0, 0)),
        pl.BlockSpec((_RT, N), amap),
        pl.BlockSpec((HID,), lambda i: (0,)),
    ]
    operands = [x, w, al, ar, cin, b]

    scratch = [
        pltpu.VMEM((N, HID), _F32),
        pltpu.VMEM((N, H), _F32),
        pltpu.VMEM((N, H), _F32),
        pltpu.VMEM((H, N), _F32),
    ]
    if last:
        dis, wp1, wp2, sc = extra
        in_specs += [
            pl.BlockSpec((_RT, N), lambda i: (jnp.clip(i - 2 * _NT, 0, _NT - 1), 0)),
            pl.BlockSpec((1, D), lambda i: (0, 0)),
            pl.BlockSpec((1, D), lambda i: (0, 0)),
            pl.BlockSpec((1, 2), lambda i: (0, 0)),
        ]
        operands += [dis, wp1, wp2, sc]
        out_specs = pl.BlockSpec((_RT, N), lambda i: (jnp.clip(i - 2 * _NT, 0, _NT - 1), 0))
        out_shape = jax.ShapeDtypeStruct((N, N), _F32)
        scratch += [pltpu.VMEM((N, D), _F32), pltpu.VMEM((D, N), _F32)]
    else:
        out_specs = pl.BlockSpec((_RT, HID), amap)
        out_shape = jax.ShapeDtypeStruct((N, HID), _F32)

    return pl.pallas_call(
        body,
        grid=(nsteps,),
        in_specs=in_specs,
        out_specs=out_specs,
        out_shape=out_shape,
        scratch_shapes=scratch,
    )(*operands)



def kernel(nfeats, g, dis, params):
    cparts = _build_counts(g, jnp.zeros((_ROWS, N), _F32))

    z0, el0, er0 = _fc0_call(nfeats, params["W0"], params["al0"], params["ar0"])
    h, cm = _attn0_call(cparts, el0, er0, z0, params["b0"])

    for l in (1, 2):
        h = _layer_call(h, params[f"W{l}"], params[f"al{l}"], params[f"ar{l}"],
                        cm, params[f"b{l}"], last=False,
                        agg_prec=lax.Precision.HIGHEST)

    wp = params["Wp"][:, 0]
    sc = jnp.stack([wp[128], params["bp"][0]]).reshape(1, 2)
    extra = (dis, wp[:64][None, :], wp[64:128][None, :], sc)
    return _layer_call(h, params["W3"], params["al3"], params["ar3"],
                       cm, params["b3"], last=True, extra=extra)

# --- scband reference (transcript-rebuilt; emitter-appended) ---
"""Pipeline reference for scband-graph-constructor-12833362280663 (READ-ONLY COPY).

The authoritative reference and input builder live on the scoring server;
editing this copy changes nothing except your own understanding.
"""

import jax, jax.numpy as jnp
import numpy as np

N = 1024
E = 65536
H = 6
D = 64
IN_DIM = 131
HID = H * D  # 384


def setup_inputs(seed: int = 0) -> dict:
    key = jax.random.key(seed)
    ks = jax.random.split(key, 32)
    nfeats = jax.random.normal(ks[0], (N, IN_DIM), dtype=jnp.float32)
    g = jax.random.randint(ks[1], (2, E), 0, N, dtype=jnp.int32)
    dis = jax.random.normal(ks[2], (N, N), dtype=jnp.float32)
    params = {}
    in_dims = [IN_DIM, HID, HID, HID]
    ki = 3
    for l in range(4):
        fan = in_dims[l]
        params[f"W{l}"] = jax.random.normal(ks[ki], (fan, HID), dtype=jnp.float32) * (1.0 / np.sqrt(fan)); ki += 1
        params[f"al{l}"] = jax.random.normal(ks[ki], (H, D), dtype=jnp.float32) * 0.1; ki += 1
        params[f"ar{l}"] = jax.random.normal(ks[ki], (H, D), dtype=jnp.float32) * 0.1; ki += 1
        params[f"b{l}"] = jnp.zeros((HID,), dtype=jnp.float32)
    params["Wp"] = jax.random.normal(ks[ki], (129, 1), dtype=jnp.float32) * (1.0 / np.sqrt(129.0)); ki += 1
    params["bp"] = jnp.zeros((1,), dtype=jnp.float32)
    return {"nfeats": nfeats, "g": g, "dis": dis, "params": params}


def _gat_layer(x, src, dst, W, al, ar, b, apply_elu):
    # DGL GATConv semantics: fc -> per-head attn logits -> edge softmax over dst -> scatter-add -> bias -> activation
    feat = (x @ W).reshape(-1, H, D)                      # [N, H, D]
    el = jnp.sum(feat * al[None, :, :], axis=-1)          # [N, H]
    er = jnp.sum(feat * ar[None, :, :], axis=-1)          # [N, H]
    e = jax.nn.leaky_relu(el[src] + er[dst], negative_slope=0.2)  # [E, H]
    emax = jax.ops.segment_max(e, dst, num_segments=N)    # [N, H]
    emax = jnp.where(jnp.isfinite(emax), emax, 0.0)
    ee = jnp.exp(e - emax[dst])                           # [E, H]
    denom = jax.ops.segment_sum(ee, dst, num_segments=N)  # [N, H]
    alpha = ee / (denom[dst] + 1e-12)                     # [E, H]
    msg = feat[src] * alpha[:, :, None]                   # [E, H, D]
    out = jax.ops.segment_sum(msg, dst, num_segments=N)   # [N, H, D]
    out = out + b.reshape(1, H, D)
    if apply_elu:
        out = jax.nn.elu(out)
    return out


def _forward(nfeats, dis, params, src, dst):
    h = nfeats
    for l in range(3):
        h = _gat_layer(h, src, dst, params[f"W{l}"], params[f"al{l}"], params[f"ar{l}"], params[f"b{l}"], True)
        h = h.reshape(N, HID)  # flatten(1)
    emb = _gat_layer(h, src, dst, params["W3"], params["al3"], params["ar3"], params["b3"], False)
    emb = emb.mean(axis=1)  # [N, 64]
    Wp = params["Wp"][:, 0]  # [129]
    # pair_emb[i, j] = concat(emb[j], emb[i], dis[i, j]) ; linear + tanh, decomposed to avoid N*N*129 materialization
    lin1 = emb @ Wp[:64]        # contribution of embeddings1 (emb[j])
    lin2 = emb @ Wp[64:128]     # contribution of embeddings2 (emb[i])
    OD = jnp.tanh(lin2[:, None] + lin1[None, :] + dis * Wp[128] + params["bp"][0])
    return OD


def reference(nfeats, g, dis, params):
    src = g[0]
    dst = g[1]
    return _forward(nfeats, dis, params, src, dst)

if __name__ == "__main__":
    import jax
    _d = setup_inputs()
    print(jax.jit(kernel)(*tuple(_d.values())))

</pallas_src>

<mosaic_0001>
#map = affine_map<(d0, d1) -> (0, 0)>
#map1 = affine_map<(d0, d1) -> (0, 0, 0)>
module attributes {stable_mosaic.version = 14 : i64} {
  func.func @_count_body(%arg0: i32, %arg1: i32, %arg2: memref<2x65536xi32, #tpu.memory_space<hbm>>, %arg3: memref<64x1024xf32, #tpu.memory_space<hbm>>, %arg4: memref<2x1024x1024xf32, #tpu.memory_space<hbm>>, %arg5: memref<64x1024xf32, #tpu.memory_space<vmem>>, %arg6: memref<8192xi32, #tpu.memory_space<vmem>>, %arg7: memref<8192xi32, #tpu.memory_space<vmem>>) attributes {dimension_semantics = [#tpu.dimension_semantics<core_parallel>, #tpu.dimension_semantics<subcore_parallel>], iteration_bounds = array<i64: 2, 16>, scalar_prefetch = 0 : i64, scratch_operands = 3 : i64, tpu.core_type = #tpu.core_type<sc_vector_subcore>, window_params = [{transform_indices = #map}, {transform_indices = #map}, {transform_indices = #map1}]} {
    %mul3A = arith.constant 64 : i32
    %mul3A_0 = arith.muli %arg1, %mul3A : i32
    "tpu.region"() ({
      %run_scoped3A = tpu.sem_alloc : memref<!tpu.dma_semaphore, #tpu.memory_space<semaphore_mem>>
      tpu.enqueue_dma source(%arg3 : memref<64x1024xf32, #tpu.memory_space<hbm>>) target(%arg5 : memref<64x1024xf32, #tpu.memory_space<vmem>>) target_semaphore(%run_scoped3A : memref<!tpu.dma_semaphore, #tpu.memory_space<semaphore_mem>>)
      tpu.wait_dma2 semaphore(%run_scoped3A : memref<!tpu.dma_semaphore, #tpu.memory_space<semaphore_mem>>) src(%arg3 : memref<64x1024xf32, #tpu.memory_space<hbm>>) dst(%arg5 : memref<64x1024xf32, #tpu.memory_space<vmem>>)
      tpu.yield
    }) : () -> ()
    %mul3A_1 = arith.constant 32768 : i32
    %mul3A_2 = arith.muli %arg0, %mul3A_1 : i32
    %broadcast_in_dim3A = arith.constant 1.000000e+00 : f32
    %broadcast_in_dim3A_3 = vector.broadcast %broadcast_in_dim3A : f32 to vector<16xf32>
    %scan3A = arith.constant 0 : i32
    %scan3A_4 = arith.constant 0 : i32
    %scan3A_5 = arith.constant 4 : i32
    %scan3A_6 = arith.addi %scan3A_4, %scan3A_5 : i32
    %scan3A_7 = arith.constant 1 : i32
    scf.for %scan3A_9 = %scan3A_4 to %scan3A_6 step %scan3A_7  : i32 {
      %mul3A_10 = arith.constant 8192 : i32
      %mul3A_11 = arith.muli %scan3A_9, %mul3A_10 : i32
      %add3A = arith.addi %mul3A_2, %mul3A_11 : i32
      %run_scoped3A = arith.constant 0 : i32
      "tpu.region"() ({
        %run_scoped3A_18 = tpu.sem_alloc : memref<!tpu.dma_semaphore, #tpu.memory_space<semaphore_mem>>
        %dma_start3A = tpu.memref_slice %arg2[%run_scoped3A, %add3A] : memref<2x65536xi32, #tpu.memory_space<hbm>> -> memref<1x8192xi32, #tpu.memory_space<hbm>>
        %dma_start3A_19 = tpu.memref_squeeze %dma_start3A : memref<1x8192xi32, #tpu.memory_space<hbm>> -> memref<8192xi32, #tpu.memory_space<hbm>>
        %dma_start3A_20 = tpu.memref_slice %arg2[%run_scoped3A, %add3A] : memref<2x65536xi32, #tpu.memory_space<hbm>> -> memref<1x8192xi32, #tpu.memory_space<hbm>>
        %dma_start3A_21 = tpu.memref_squeeze %dma_start3A_20 : memref<1x8192xi32, #tpu.memory_space<hbm>> -> memref<8192xi32, #tpu.memory_space<hbm>>
        tpu.enqueue_dma source(%dma_start3A_21 : memref<8192xi32, #tpu.memory_space<hbm>>) target(%arg6 : memref<8192xi32, #tpu.memory_space<vmem>>) target_semaphore(%run_scoped3A_18 : memref<!tpu.dma_semaphore, #tpu.memory_space<semaphore_mem>>)
        %dma_wait3A = tpu.memref_slice %arg2[%run_scoped3A, %add3A] : memref<2x65536xi32, #tpu.memory_space<hbm>> -> memref<1x8192xi32, #tpu.memory_space<hbm>>
        %dma_wait3A_22 = tpu.memref_squeeze %dma_wait3A : memref<1x8192xi32, #tpu.memory_space<hbm>> -> memref<8192xi32, #tpu.memory_space<hbm>>
        %dma_wait3A_23 = tpu.memref_slice %arg2[%run_scoped3A, %add3A] : memref<2x65536xi32, #tpu.memory_space<hbm>> -> memref<1x8192xi32, #tpu.memory_space<hbm>>
        %dma_wait3A_24 = tpu.memref_squeeze %dma_wait3A_23 : memref<1x8192xi32, #tpu.memory_space<hbm>> -> memref<8192xi32, #tpu.memory_space<hbm>>
        tpu.wait_dma2 semaphore(%run_scoped3A_18 : memref<!tpu.dma_semaphore, #tpu.memory_space<semaphore_mem>>) src(%dma_wait3A_24 : memref<8192xi32, #tpu.memory_space<hbm>>) dst(%arg6 : memref<8192xi32, #tpu.memory_space<vmem>>)
        tpu.yield
      }) : () -> ()
      %run_scoped3A_12 = arith.constant 1 : i32
      "tpu.region"() ({
        %run_scoped3A_18 = tpu.sem_alloc : memref<!tpu.dma_semaphore, #tpu.memory_space<semaphore_mem>>
        %dma_start3A = tpu.memref_slice %arg2[%run_scoped3A_12, %add3A] : memref<2x65536xi32, #tpu.memory_space<hbm>> -> memref<1x8192xi32, #tpu.memory_space<hbm>>
        %dma_start3A_19 = tpu.memref_squeeze %dma_start3A : memref<1x8192xi32, #tpu.memory_space<hbm>> -> memref<8192xi32, #tpu.memory_space<hbm>>
        %dma_start3A_20 = tpu.memref_slice %arg2[%run_scoped3A_12, %add3A] : memref<2x65536xi32, #tpu.memory_space<hbm>> -> memref<1x8192xi32, #tpu.memory_space<hbm>>
        %dma_start3A_21 = tpu.memref_squeeze %dma_start3A_20 : memref<1x8192xi32, #tpu.memory_space<hbm>> -> memref<8192xi32, #tpu.memory_space<hbm>>
        tpu.enqueue_dma source(%dma_start3A_21 : memref<8192xi32, #tpu.memory_space<hbm>>) target(%arg7 : memref<8192xi32, #tpu.memory_space<vmem>>) target_semaphore(%run_scoped3A_18 : memref<!tpu.dma_semaphore, #tpu.memory_space<semaphore_mem>>)
        %dma_wait3A = tpu.memref_slice %arg2[%run_scoped3A_12, %add3A] : memref<2x65536xi32, #tpu.memory_space<hbm>> -> memref<1x8192xi32, #tpu.memory_space<hbm>>
        %dma_wait3A_22 = tpu.memref_squeeze %dma_wait3A : memref<1x8192xi32, #tpu.memory_space<hbm>> -> memref<8192xi32, #tpu.memory_space<hbm>>
        %dma_wait3A_23 = tpu.memref_slice %arg2[%run_scoped3A_12, %add3A] : memref<2x65536xi32, #tpu.memory_space<hbm>> -> memref<1x8192xi32, #tpu.memory_space<hbm>>
        %dma_wait3A_24 = tpu.memref_squeeze %dma_wait3A_23 : memref<1x8192xi32, #tpu.memory_space<hbm>> -> memref<8192xi32, #tpu.memory_space<hbm>>
        tpu.wait_dma2 semaphore(%run_scoped3A_18 : memref<!tpu.dma_semaphore, #tpu.memory_space<semaphore_mem>>) src(%dma_wait3A_24 : memref<8192xi32, #tpu.memory_space<hbm>>) dst(%arg7 : memref<8192xi32, #tpu.memory_space<vmem>>)
        tpu.yield
      }) : () -> ()
      %scan3A_13 = arith.constant 0 : i32
      %scan3A_14 = arith.constant 128 : i32
      %scan3A_15 = arith.addi %scan3A_13, %scan3A_14 : i32
      %scan3A_16 = arith.constant 1 : i32
      scf.for %scan3A_18 = %scan3A_13 to %scan3A_15 step %scan3A_16  : i32 {
        %mul3A_19 = arith.constant 64 : i32
        %mul3A_20 = arith.muli %scan3A_18, %mul3A_19 : i32
        %add3A_21 = arith.constant 0 : i32
        %add3A_22 = arith.addi %mul3A_20, %add3A_21 : i32
        %get3A = arith.index_cast %add3A_22 : i32 to index
        %get3A_23 = tpu.vector_load %arg7[%get3A] {strides = array<i32>} : memref<8192xi32, #tpu.memory_space<vmem>>, vector<16xi32>,
        %mul3A_24 = arith.constant 64 : i32
        %mul3A_25 = arith.muli %scan3A_18, %mul3A_24 : i32
        %add3A_26 = arith.constant 0 : i32
        %add3A_27 = arith.addi %mul3A_25, %add3A_26 : i32
        %get3A_28 = arith.index_cast %add3A_27 : i32 to index
        %get3A_29 = tpu.vector_load %arg6[%get3A_28] {strides = array<i32>} : memref<8192xi32, #tpu.memory_space<vmem>>, vector<16xi32>,
        %sub3A = vector.broadcast %mul3A_0 : i32 to vector<16xi32>
        %sub3A_30 = arith.subi %get3A_23, %sub3A : vector<16xi32>
        %bitcast_convert_type3A = tpu.bitcast %sub3A_30 : vector<16xi32> -> vector<16xi32>
        %lt3A = arith.constant 64 : i32
        %lt3A_31 = vector.broadcast %lt3A : i32 to vector<16xi32>
        %lt3A_32 = arith.cmpi ult, %bitcast_convert_type3A, %lt3A_31 : vector<16xi32>
        %jit3A = arith.constant 0 : i32
        %broadcast_in_dim3A_33 = vector.broadcast %jit3A : i32 to vector<16xi32>
        %select_n3A = arith.select %lt3A_32, %sub3A_30, %broadcast_in_dim3A_33 : vector<16xi1>, vector<16xi32>
        tpu.vector_store_idx %arg5[%select_n3A, %get3A_29], %broadcast_in_dim3A_3 masked %lt3A_32 {add = true} : memref<64x1024xf32, #tpu.memory_space<vmem>>[vector<16xi32>, vector<16xi32>], vector<16xf32>, vector<16xi1>
        %mul3A_34 = arith.constant 64 : i32
        %mul3A_35 = arith.muli %scan3A_18, %mul3A_34 : i32
        %add3A_36 = arith.constant 16 : i32
        %add3A_37 = arith.addi %mul3A_35, %add3A_36 : i32
        %get3A_38 = arith.index_cast %add3A_37 : i32 to index
        %get3A_39 = tpu.vector_load %arg7[%get3A_38] {strides = array<i32>} : memref<8192xi32, #tpu.memory_space<vmem>>, vector<16xi32>,
        %mul3A_40 = arith.constant 64 : i32
        %mul3A_41 = arith.muli %scan3A_18, %mul3A_40 : i32
        %add3A_42 = arith.constant 16 : i32
        %add3A_43 = arith.addi %mul3A_41, %add3A_42 : i32
        %get3A_44 = arith.index_cast %add3A_43 : i32 to index
        %get3A_45 = tpu.vector_load %arg6[%get3A_44] {strides = array<i32>} : memref<8192xi32, #tpu.memory_space<vmem>>, vector<16xi32>,
        %sub3A_46 = vector.broadcast %mul3A_0 : i32 to vector<16xi32>
        %sub3A_47 = arith.subi %get3A_39, %sub3A_46 : vector<16xi32>
        %bitcast_convert_type3A_48 = tpu.bitcast %sub3A_47 : vector<16xi32> -> vector<16xi32>
        %lt3A_49 = arith.constant 64 : i32
        %lt3A_50 = vector.broadcast %lt3A_49 : i32 to vector<16xi32>
        %lt3A_51 = arith.cmpi ult, %bitcast_convert_type3A_48, %lt3A_50 : vector<16xi32>
        %jit3A_52 = arith.constant 0 : i32
        %broadcast_in_dim3A_53 = vector.broadcast %jit3A_52 : i32 to vector<16xi32>
        %select_n3A_54 = arith.select %lt3A_51, %sub3A_47, %broadcast_in_dim3A_53 : vector<16xi1>, vector<16xi32>
        tpu.vector_store_idx %arg5[%select_n3A_54, %get3A_45], %broadcast_in_dim3A_3 masked %lt3A_51 {add = true} : memref<64x1024xf32, #tpu.memory_space<vmem>>[vector<16xi32>, vector<16xi32>], vector<16xf32>, vector<16xi1>
        %mul3A_55 = arith.constant 64 : i32
        %mul3A_56 = arith.muli %scan3A_18, %mul3A_55 : i32
        %add3A_57 = arith.constant 32 : i32
        %add3A_58 = arith.addi %mul3A_56, %add3A_57 : i32
        %get3A_59 = arith.index_cast %add3A_58 : i32 to index
        %get3A_60 = tpu.vector_load %arg7[%get3A_59] {strides = array<i32>} : memref<8192xi32, #tpu.memory_space<vmem>>, vector<16xi32>,
        %mul3A_61 = arith.constant 64 : i32
        %mul3A_62 = arith.muli %scan3A_18, %mul3A_61 : i32
        %add3A_63 = arith.constant 32 : i32
        %add3A_64 = arith.addi %mul3A_62, %add3A_63 : i32
        %get3A_65 = arith.index_cast %add3A_64 : i32 to index
        %get3A_66 = tpu.vector_load %arg6[%get3A_65] {strides = array<i32>} : memref<8192xi32, #tpu.memory_space<vmem>>, vector<16xi32>,
        %sub3A_67 = vector.broadcast %mul3A_0 : i32 to vector<16xi32>
        %sub3A_68 = arith.subi %get3A_60, %sub3A_67 : vector<16xi32>
        %bitcast_convert_type3A_69 = tpu.bitcast %sub3A_68 : vector<16xi32> -> vector<16xi32>
        %lt3A_70 = arith.constant 64 : i32
        %lt3A_71 = vector.broadcast %lt3A_70 : i32 to vector<16xi32>
        %lt3A_72 = arith.cmpi ult, %bitcast_convert_type3A_69, %lt3A_71 : vector<16xi32>
        %jit3A_73 = arith.constant 0 : i32
        %broadcast_in_dim3A_74 = vector.broadcast %jit3A_73 : i32 to vector<16xi32>
        %select_n3A_75 = arith.select %lt3A_72, %sub3A_68, %broadcast_in_dim3A_74 : vector<16xi1>, vector<16xi32>
        tpu.vector_store_idx %arg5[%select_n3A_75, %get3A_66], %broadcast_in_dim3A_3 masked %lt3A_72 {add = true} : memref<64x1024xf32, #tpu.memory_space<vmem>>[vector<16xi32>, vector<16xi32>], vector<16xf32>, vector<16xi1>
        %mul3A_76 = arith.constant 64 : i32
        %mul3A_77 = arith.muli %scan3A_18, %mul3A_76 : i32
        %add3A_78 = arith.constant 48 : i32
        %add3A_79 = arith.addi %mul3A_77, %add3A_78 : i32
        %get3A_80 = arith.index_cast %add3A_79 : i32 to index
        %get3A_81 = tpu.vector_load %arg7[%get3A_80] {strides = array<i32>} : memref<8192xi32, #tpu.memory_space<vmem>>, vector<16xi32>,
        %mul3A_82 = arith.constant 64 : i32
        %mul3A_83 = arith.muli %scan3A_18, %mul3A_82 : i32
        %add3A_84 = arith.constant 48 : i32
        %add3A_85 = arith.addi %mul3A_83, %add3A_84 : i32
        %get3A_86 = arith.index_cast %add3A_85 : i32 to index
        %get3A_87 = tpu.vector_load %arg6[%get3A_86] {strides = array<i32>} : memref<8192xi32, #tpu.memory_space<vmem>>, vector<16xi32>,
        %sub3A_88 = vector.broadcast %mul3A_0 : i32 to vector<16xi32>
        %sub3A_89 = arith.subi %get3A_81, %sub3A_88 : vector<16xi32>
        %bitcast_convert_type3A_90 = tpu.bitcast %sub3A_89 : vector<16xi32> -> vector<16xi32>
        %lt3A_91 = arith.constant 64 : i32
        %lt3A_92 = vector.broadcast %lt3A_91 : i32 to vector<16xi32>
        %lt3A_93 = arith.cmpi ult, %bitcast_convert_type3A_90, %lt3A_92 : vector<16xi32>
        %jit3A_94 = arith.constant 0 : i32
        %broadcast_in_dim3A_95 = vector.broadcast %jit3A_94 : i32 to vector<16xi32>
        %select_n3A_96 = arith.select %lt3A_93, %sub3A_89, %broadcast_in_dim3A_95 : vector<16xi1>, vector<16xi32>
        tpu.vector_store_idx %arg5[%select_n3A_96, %get3A_87], %broadcast_in_dim3A_3 masked %lt3A_93 {add = true} : memref<64x1024xf32, #tpu.memory_space<vmem>>[vector<16xi32>, vector<16xi32>], vector<16xf32>, vector<16xi1>
      }
      %scan3A_17 = arith.constant 128 : i32
    }
    %scan3A_8 = arith.constant 4 : i32
    "tpu.region"() ({
      %run_scoped3A = tpu.sem_alloc : memref<!tpu.dma_semaphore, #tpu.memory_space<semaphore_mem>>
      %dma_start3A = arith.constant 0 : i32
      %dma_start3A_9 = tpu.memref_slice %arg4[%arg0, %mul3A_0, %dma_start3A] : memref<2x1024x1024xf32, #tpu.memory_space<hbm>> -> memref<1x64x1024xf32, #tpu.memory_space<hbm>>
      %dma_start3A_10 = tpu.memref_squeeze %dma_start3A_9 : memref<1x64x1024xf32, #tpu.memory_space<hbm>> -> memref<64x1024xf32, #tpu.memory_space<hbm>>
      %dma_start3A_11 = arith.constant 0 : i32
      %dma_start3A_12 = tpu.memref_slice %arg4[%arg0, %mul3A_0, %dma_start3A_11] : memref<2x1024x1024xf32, #tpu.memory_space<hbm>> -> memref<1x64x1024xf32, #tpu.memory_space<hbm>>
      %dma_start3A_13 = tpu.memref_squeeze %dma_start3A_12 : memref<1x64x1024xf32, #tpu.memory_space<hbm>> -> memref<64x1024xf32, #tpu.memory_space<hbm>>
      tpu.enqueue_dma source(%arg5 : memref<64x1024xf32, #tpu.memory_space<vmem>>) target(%dma_start3A_13 : memref<64x1024xf32, #tpu.memory_space<hbm>>) target_semaphore(%run_scoped3A : memref<!tpu.dma_semaphore, #tpu.memory_space<semaphore_mem>>)
      %dma_wait3A = arith.constant 0 : i32
      %dma_wait3A_14 = tpu.memref_slice %arg4[%arg0, %mul3A_0, %dma_wait3A] : memref<2x1024x1024xf32, #tpu.memory_space<hbm>> -> memref<1x64x1024xf32, #tpu.memory_space<hbm>>
      %dma_wait3A_15 = tpu.memref_squeeze %dma_wait3A_14 : memref<1x64x1024xf32, #tpu.memory_space<hbm>> -> memref<64x1024xf32, #tpu.memory_space<hbm>>
      %dma_wait3A_16 = arith.constant 0 : i32
      %dma_wait3A_17 = tpu.memref_slice %arg4[%arg0, %mul3A_0, %dma_wait3A_16] : memref<2x1024x1024xf32, #tpu.memory_space<hbm>> -> memref<1x64x1024xf32, #tpu.memory_space<hbm>>
      %dma_wait3A_18 = tpu.memref_squeeze %dma_wait3A_17 : memref<1x64x1024xf32, #tpu.memory_space<hbm>> -> memref<64x1024xf32, #tpu.memory_space<hbm>>
      tpu.wait_dma2 semaphore(%run_scoped3A : memref<!tpu.dma_semaphore, #tpu.memory_space<semaphore_mem>>) src(%arg5 : memref<64x1024xf32, #tpu.memory_space<vmem>>) dst(%dma_wait3A_18 : memref<64x1024xf32, #tpu.memory_space<hbm>>)
      tpu.yield
    }) : () -> ()
    return
  }
}

module attributes {stable_mosaic.version = 14 : i64} {
  func.func @_fc0_body(%arg0: i32, %arg1: memref<512x131xf32, #tpu.memory_space<vmem>>, %arg2: memref<131x384xf32, #tpu.memory_space<vmem>>, %arg3: memref<6x64xf32, #tpu.memory_space<vmem>>, %arg4: memref<6x64xf32, #tpu.memory_space<vmem>>, %arg5: memref<512x384xf32, #tpu.memory_space<vmem>>, %arg6: memref<512x6xf32, #tpu.memory_space<vmem>>, %arg7: memref<512x6xf32, #tpu.memory_space<vmem>>) attributes {dimension_semantics = [#tpu.dimension_semantics<arbitrary>], iteration_bounds = array<i64: 2>, scalar_prefetch = 0 : i64, scratch_operands = 0 : i64, tpu.core_type = #tpu.core_type<tc>, window_params = [{transform_indices = @transform_0, window_bounds = array<i64: 512, 131>}, {pipeline_mode = #tpu.pipeline_mode<synchronous>, transform_indices = @transform_1, window_bounds = array<i64: 131, 384>}, {pipeline_mode = #tpu.pipeline_mode<synchronous>, transform_indices = @transform_2, window_bounds = array<i64: 6, 64>}, {pipeline_mode = #tpu.pipeline_mode<synchronous>, transform_indices = @transform_3, window_bounds = array<i64: 6, 64>}, {transform_indices = @transform_4, window_bounds = array<i64: 512, 384>}, {transform_indices = @transform_5, window_bounds = array<i64: 512, 6>}, {transform_indices = @transform_6, window_bounds = array<i64: 512, 6>}]} {
    %get3A = arith.constant 0 : index
    %get3A_0 = arith.constant 0 : index
    %get3A_1 = vector.load %arg1[%get3A, %get3A_0] : memref<512x131xf32, #tpu.memory_space<vmem>>, vector<512x131xf32>
    %get3A_2 = arith.constant 0 : index
    %get3A_3 = arith.constant 0 : index
    %get3A_4 = vector.load %arg2[%get3A_2, %get3A_3] : memref<131x384xf32, #tpu.memory_space<vmem>>, vector<131x384xf32>
    %dot_general3A = arith.constant dense<0.000000e+00> : vector<512x384xf32>
    %dot_general3A_5 = tpu.matmul %get3A_1, %get3A_4, %dot_general3A {dimension_numbers = #tpu.dot_dimension_numbers<[1], [0], [0], [1], [0, 0, 1, 1], [], []>, transpose_lhs_hint = false} : vector<512x131xf32>, vector<131x384xf32>, vector<512x384xf32> -> vector<512x384xf32>
    %slice3A = vector.extract_strided_slice %dot_general3A_5 {offsets = [0, 0], sizes = [512, 64], strides = [1, 1]} : vector<512x384xf32> to vector<512x64xf32>
    %get3A_6 = arith.constant 0 : index
    %get3A_7 = arith.constant 0 : index
    %get3A_8 = vector.load %arg3[%get3A_6, %get3A_7] : memref<6x64xf32, #tpu.memory_space<vmem>>, vector<1x64xf32>
    %get3A_9 = vector.shape_cast %get3A_8 : vector<1x64xf32> to vector<64xf32>
    %broadcast_in_dim3A = vector.shape_cast %get3A_9 : vector<64xf32> to vector<1x64xf32>
    %mul3A = vector.broadcast %broadcast_in_dim3A : vector<1x64xf32> to vector<512x64xf32>
    %mul3A_10 = arith.mulf %slice3A, %mul3A : vector<512x64xf32>
    %reduce_sum3A = arith.constant dense<0.000000e+00> : vector<512xf32>
    %reduce_sum3A_11 = vector.multi_reduction <add>, %mul3A_10, %reduce_sum3A [1] : vector<512x64xf32> to vector<512xf32>
    %broadcast_in_dim3A_12 = vector.shape_cast %reduce_sum3A_11 : vector<512xf32> to vector<512x1xf32>
    %get3A_13 = arith.constant 0 : index
    %get3A_14 = arith.constant 0 : index
    %get3A_15 = vector.load %arg4[%get3A_13, %get3A_14] : memref<6x64xf32, #tpu.memory_space<vmem>>, vector<1x64xf32>
    %get3A_16 = vector.shape_cast %get3A_15 : vector<1x64xf32> to vector<64xf32>
    %broadcast_in_dim3A_17 = vector.shape_cast %get3A_16 : vector<64xf32> to vector<1x64xf32>
    %mul3A_18 = vector.broadcast %broadcast_in_dim3A_17 : vector<1x64xf32> to vector<512x64xf32>
    %mul3A_19 = arith.mulf %slice3A, %mul3A_18 : vector<512x64xf32>
    %reduce_sum3A_20 = arith.constant dense<0.000000e+00> : vector<512xf32>
    %reduce_sum3A_21 = vector.multi_reduction <add>, %mul3A_19, %reduce_sum3A_20 [1] : vector<512x64xf32> to vector<512xf32>
    %broadcast_in_dim3A_22 = vector.shape_cast %reduce_sum3A_21 : vector<512xf32> to vector<512x1xf32>
    %slice3A_23 = vector.extract_strided_slice %dot_general3A_5 {offsets = [0, 64], sizes = [512, 64], strides = [1, 1]} : vector<512x384xf32> to vector<512x64xf32>
    %get3A_24 = arith.constant 1 : index
    %get3A_25 = arith.constant 0 : index
    %get3A_26 = vector.load %arg3[%get3A_24, %get3A_25] : memref<6x64xf32, #tpu.memory_space<vmem>>, vector<1x64xf32>
    %get3A_27 = vector.shape_cast %get3A_26 : vector<1x64xf32> to vector<64xf32>
    %broadcast_in_dim3A_28 = vector.shape_cast %get3A_27 : vector<64xf32> to vector<1x64xf32>
    %mul3A_29 = vector.broadcast %broadcast_in_dim3A_28 : vector<1x64xf32> to vector<512x64xf32>
    %mul3A_30 = arith.mulf %slice3A_23, %mul3A_29 : vector<512x64xf32>
    %reduce_sum3A_31 = arith.constant dense<0.000000e+00> : vector<512xf32>
    %reduce_sum3A_32 = vector.multi_reduction <add>, %mul3A_30, %reduce_sum3A_31 [1] : vector<512x64xf32> to vector<512xf32>
    %broadcast_in_dim3A_33 = vector.shape_cast %reduce_sum3A_32 : vector<512xf32> to vector<512x1xf32>
    %get3A_34 = arith.constant 1 : index
    %get3A_35 = arith.constant 0 : index
    %get3A_36 = vector.load %arg4[%get3A_34, %get3A_35] : memref<6x64xf32, #tpu.memory_space<vmem>>, vector<1x64xf32>
    %get3A_37 = vector.shape_cast %get3A_36 : vector<1x64xf32> to vector<64xf32>
    %broadcast_in_dim3A_38 = vector.shape_cast %get3A_37 : vector<64xf32> to vector<1x64xf32>
    %mul3A_39 = vector.broadcast %broadcast_in_dim3A_38 : vector<1x64xf32> to vector<512x64xf32>
    %mul3A_40 = arith.mulf %slice3A_23, %mul3A_39 : vector<512x64xf32>
    %reduce_sum3A_41 = arith.constant dense<0.000000e+00> : vector<512xf32>
    %reduce_sum3A_42 = vector.multi_reduction <add>, %mul3A_40, %reduce_sum3A_41 [1] : vector<512x64xf32> to vector<512xf32>
    %broadcast_in_dim3A_43 = vector.shape_cast %reduce_sum3A_42 : vector<512xf32> to vector<512x1xf32>
    %slice3A_44 = vector.extract_strided_slice %dot_general3A_5 {offsets = [0, 128], sizes = [512, 64], strides = [1, 1]} : vector<512x384xf32> to vector<512x64xf32>
    %get3A_45 = arith.constant 2 : index
    %get3A_46 = arith.constant 0 : index
    %get3A_47 = vector.load %arg3[%get3A_45, %get3A_46] : memref<6x64xf32, #tpu.memory_space<vmem>>, vector<1x64xf32>
    %get3A_48 = vector.shape_cast %get3A_47 : vector<1x64xf32> to vector<64xf32>
    %broadcast_in_dim3A_49 = vector.shape_cast %get3A_48 : vector<64xf32> to vector<1x64xf32>
    %mul3A_50 = vector.broadcast %broadcast_in_dim3A_49 : vector<1x64xf32> to vector<512x64xf32>
    %mul3A_51 = arith.mulf %slice3A_44, %mul3A_50 : vector<512x64xf32>
    %reduce_sum3A_52 = arith.constant dense<0.000000e+00> : vector<512xf32>
    %reduce_sum3A_53 = vector.multi_reduction <add>, %mul3A_51, %reduce_sum3A_52 [1] : vector<512x64xf32> to vector<512xf32>
    %broadcast_in_dim3A_54 = vector.shape_cast %reduce_sum3A_53 : vector<512xf32> to vector<512x1xf32>
    %get3A_55 = arith.constant 2 : index
    %get3A_56 = arith.constant 0 : index
    %get3A_57 = vector.load %arg4[%get3A_55, %get3A_56] : memref<6x64xf32, #tpu.memory_space<vmem>>, vector<1x64xf32>
    %get3A_58 = vector.shape_cast %get3A_57 : vector<1x64xf32> to vector<64xf32>
    %broadcast_in_dim3A_59 = vector.shape_cast %get3A_58 : vector<64xf32> to vector<1x64xf32>
    %mul3A_60 = vector.broadcast %broadcast_in_dim3A_59 : vector<1x64xf32> to vector<512x64xf32>
    %mul3A_61 = arith.mulf %slice3A_44, %mul3A_60 : vector<512x64xf32>
    %reduce_sum3A_62 = arith.constant dense<0.000000e+00> : vector<512xf32>
    %reduce_sum3A_63 = vector.multi_reduction <add>, %mul3A_61, %reduce_sum3A_62 [1] : vector<512x64xf32> to vector<512xf32>
    %broadcast_in_dim3A_64 = vector.shape_cast %reduce_sum3A_63 : vector<512xf32> to vector<512x1xf32>
    %slice3A_65 = vector.extract_strided_slice %dot_general3A_5 {offsets = [0, 192], sizes = [512, 64], strides = [1, 1]} : vector<512x384xf32> to vector<512x64xf32>
    %get3A_66 = arith.constant 3 : index
    %get3A_67 = arith.constant 0 : index
    %get3A_68 = vector.load %arg3[%get3A_66, %get3A_67] : memref<6x64xf32, #tpu.memory_space<vmem>>, vector<1x64xf32>
    %get3A_69 = vector.shape_cast %get3A_68 : vector<1x64xf32> to vector<64xf32>
    %broadcast_in_dim3A_70 = vector.shape_cast %get3A_69 : vector<64xf32> to vector<1x64xf32>
    %mul3A_71 = vector.broadcast %broadcast_in_dim3A_70 : vector<1x64xf32> to vector<512x64xf32>
    %mul3A_72 = arith.mulf %slice3A_65, %mul3A_71 : vector<512x64xf32>
    %reduce_sum3A_73 = arith.constant dense<0.000000e+00> : vector<512xf32>
    %reduce_sum3A_74 = vector.multi_reduction <add>, %mul3A_72, %reduce_sum3A_73 [1] : vector<512x64xf32> to vector<512xf32>
    %broadcast_in_dim3A_75 = vector.shape_cast %reduce_sum3A_74 : vector<512xf32> to vector<512x1xf32>
    %get3A_76 = arith.constant 3 : index
    %get3A_77 = arith.constant 0 : index
    %get3A_78 = vector.load %arg4[%get3A_76, %get3A_77] : memref<6x64xf32, #tpu.memory_space<vmem>>, vector<1x64xf32>
    %get3A_79 = vector.shape_cast %get3A_78 : vector<1x64xf32> to vector<64xf32>
    %broadcast_in_dim3A_80 = vector.shape_cast %get3A_79 : vector<64xf32> to vector<1x64xf32>
    %mul3A_81 = vector.broadcast %broadcast_in_dim3A_80 : vector<1x64xf32> to vector<512x64xf32>
    %mul3A_82 = arith.mulf %slice3A_65, %mul3A_81 : vector<512x64xf32>
    %reduce_sum3A_83 = arith.constant dense<0.000000e+00> : vector<512xf32>
    %reduce_sum3A_84 = vector.multi_reduction <add>, %mul3A_82, %reduce_sum3A_83 [1] : vector<512x64xf32> to vector<512xf32>
    %broadcast_in_dim3A_85 = vector.shape_cast %reduce_sum3A_84 : vector<512xf32> to vector<512x1xf32>
    %slice3A_86 = vector.extract_strided_slice %dot_general3A_5 {offsets = [0, 256], sizes = [512, 64], strides = [1, 1]} : vector<512x384xf32> to vector<512x64xf32>
    %get3A_87 = arith.constant 4 : index
    %get3A_88 = arith.constant 0 : index
    %get3A_89 = vector.load %arg3[%get3A_87, %get3A_88] : memref<6x64xf32, #tpu.memory_space<vmem>>, vector<1x64xf32>
    %get3A_90 = vector.shape_cast %get3A_89 : vector<1x64xf32> to vector<64xf32>
    %broadcast_in_dim3A_91 = vector.shape_cast %get3A_90 : vector<64xf32> to vector<1x64xf32>
    %mul3A_92 = vector.broadcast %broadcast_in_dim3A_91 : vector<1x64xf32> to vector<512x64xf32>
    %mul3A_93 = arith.mulf %slice3A_86, %mul3A_92 : vector<512x64xf32>
    %reduce_sum3A_94 = arith.constant dense<0.000000e+00> : vector<512xf32>
    %reduce_sum3A_95 = vector.multi_reduction <add>, %mul3A_93, %reduce_sum3A_94 [1] : vector<512x64xf32> to vector<512xf32>
    %broadcast_in_dim3A_96 = vector.shape_cast %reduce_sum3A_95 : vector<512xf32> to vector<512x1xf32>
    %get3A_97 = arith.constant 4 : index
    %get3A_98 = arith.constant 0 : index
    %get3A_99 = vector.load %arg4[%get3A_97, %get3A_98] : memref<6x64xf32, #tpu.memory_space<vmem>>, vector<1x64xf32>
    %get3A_100 = vector.shape_cast %get3A_99 : vector<1x64xf32> to vector<64xf32>
    %broadcast_in_dim3A_101 = vector.shape_cast %get3A_100 : vector<64xf32> to vector<1x64xf32>
    %mul3A_102 = vector.broadcast %broadcast_in_dim3A_101 : vector<1x64xf32> to vector<512x64xf32>
    %mul3A_103 = arith.mulf %slice3A_86, %mul3A_102 : vector<512x64xf32>
    %reduce_sum3A_104 = arith.constant dense<0.000000e+00> : vector<512xf32>
    %reduce_sum3A_105 = vector.multi_reduction <add>, %mul3A_103, %reduce_sum3A_104 [1] : vector<512x64xf32> to vector<512xf32>
    %broadcast_in_dim3A_106 = vector.shape_cast %reduce_sum3A_105 : vector<512xf32> to vector<512x1xf32>
    %slice3A_107 = vector.extract_strided_slice %dot_general3A_5 {offsets = [0, 320], sizes = [512, 64], strides = [1, 1]} : vector<512x384xf32> to vector<512x64xf32>
    %get3A_108 = arith.constant 5 : index
    %get3A_109 = arith.constant 0 : index
    %get3A_110 = vector.load %arg3[%get3A_108, %get3A_109] : memref<6x64xf32, #tpu.memory_space<vmem>>, vector<1x64xf32>
    %get3A_111 = vector.shape_cast %get3A_110 : vector<1x64xf32> to vector<64xf32>
    %broadcast_in_dim3A_112 = vector.shape_cast %get3A_111 : vector<64xf32> to vector<1x64xf32>
    %mul3A_113 = vector.broadcast %broadcast_in_dim3A_112 : vector<1x64xf32> to vector<512x64xf32>
    %mul3A_114 = arith.mulf %slice3A_107, %mul3A_113 : vector<512x64xf32>
    %reduce_sum3A_115 = arith.constant dense<0.000000e+00> : vector<512xf32>
    %reduce_sum3A_116 = vector.multi_reduction <add>, %mul3A_114, %reduce_sum3A_115 [1] : vector<512x64xf32> to vector<512xf32>
    %broadcast_in_dim3A_117 = vector.shape_cast %reduce_sum3A_116 : vector<512xf32> to vector<512x1xf32>
    %get3A_118 = arith.constant 5 : index
    %get3A_119 = arith.constant 0 : index
    %get3A_120 = vector.load %arg4[%get3A_118, %get3A_119] : memref<6x64xf32, #tpu.memory_space<vmem>>, vector<1x64xf32>
    %get3A_121 = vector.shape_cast %get3A_120 : vector<1x64xf32> to vector<64xf32>
    %broadcast_in_dim3A_122 = vector.shape_cast %get3A_121 : vector<64xf32> to vector<1x64xf32>
    %mul3A_123 = vector.broadcast %broadcast_in_dim3A_122 : vector<1x64xf32> to vector<512x64xf32>
    %mul3A_124 = arith.mulf %slice3A_107, %mul3A_123 : vector<512x64xf32>
    %reduce_sum3A_125 = arith.constant dense<0.000000e+00> : vector<512xf32>
    %reduce_sum3A_126 = vector.multi_reduction <add>, %mul3A_124, %reduce_sum3A_125 [1] : vector<512x64xf32> to vector<512xf32>
    %broadcast_in_dim3A_127 = vector.shape_cast %reduce_sum3A_126 : vector<512xf32> to vector<512x1xf32>
    %concatenate3A = tpu.concatenate %broadcast_in_dim3A_12, %broadcast_in_dim3A_33, %broadcast_in_dim3A_54, %broadcast_in_dim3A_75, %broadcast_in_dim3A_96, %broadcast_in_dim3A_117 in 1 : vector<512x1xf32>, vector<512x1xf32>, vector<512x1xf32>, vector<512x1xf32>, vector<512x1xf32>, vector<512x1xf32> -> vector<512x6xf32>
    %concatenate3A_128 = tpu.concatenate %broadcast_in_dim3A_22, %broadcast_in_dim3A_43, %broadcast_in_dim3A_64, %broadcast_in_dim3A_85, %broadcast_in_dim3A_106, %broadcast_in_dim3A_127 in 1 : vector<512x1xf32>, vector<512x1xf32>, vector<512x1xf32>, vector<512x1xf32>, vector<512x1xf32>, vector<512x1xf32> -> vector<512x6xf32>
    %swap3A = arith.constant 0 : index
    %swap3A_129 = arith.constant 0 : index
    %swap3A_130 = vector.load %arg5[%swap3A, %swap3A_129] : memref<512x384xf32, #tpu.memory_space<vmem>>, vector<512x384xf32>
    tpu.vector_store %arg5[%swap3A, %swap3A_129], %dot_general3A_5 {strides = array<i32>} : memref<512x384xf32, #tpu.memory_space<vmem>>, vector<512x384xf32>,
    %swap3A_131 = arith.constant 0 : index
    %swap3A_132 = arith.constant 0 : index
    %swap3A_133 = vector.load %arg6[%swap3A_131, %swap3A_132] : memref<512x6xf32, #tpu.memory_space<vmem>>, vector<512x6xf32>
    tpu.vector_store %arg6[%swap3A_131, %swap3A_132], %concatenate3A {strides = array<i32>} : memref<512x6xf32, #tpu.memory_space<vmem>>, vector<512x6xf32>,
    %swap3A_134 = arith.constant 0 : index
    %swap3A_135 = arith.constant 0 : index
    %swap3A_136 = vector.load %arg7[%swap3A_134, %swap3A_135] : memref<512x6xf32, #tpu.memory_space<vmem>>, vector<512x6xf32>
    tpu.vector_store %arg7[%swap3A_134, %swap3A_135], %concatenate3A_128 {strides = array<i32>} : memref<512x6xf32, #tpu.memory_space<vmem>>, vector<512x6xf32>,
    return
  }
  func.func @transform_0(%arg0: i32) -> (i32, i32) {
    %c0_i32 = arith.constant 0 : i32
    %c0_i32_0 = arith.constant 0 : i32
    return %arg0, %c0_i32 : i32, i32
  }
  func.func @transform_1(%arg0: i32) -> (i32, i32) {
    %c0_i32 = arith.constant 0 : i32
    %c0_i32_0 = arith.constant 0 : i32
    %c0_i32_1 = arith.constant 0 : i32
    return %c0_i32, %c0_i32_0 : i32, i32
  }
  func.func @transform_2(%arg0: i32) -> (i32, i32) {
    %c0_i32 = arith.constant 0 : i32
    %c0_i32_0 = arith.constant 0 : i32
    %c0_i32_1 = arith.constant 0 : i32
    return %c0_i32, %c0_i32_0 : i32, i32
  }
  func.func @transform_3(%arg0: i32) -> (i32, i32) {
    %c0_i32 = arith.constant 0 : i32
    %c0_i32_0 = arith.constant 0 : i32
    %c0_i32_1 = arith.constant 0 : i32
    return %c0_i32, %c0_i32_0 : i32, i32
  }
  func.func @transform_4(%arg0: i32) -> (i32, i32) {
    %c0_i32 = arith.constant 0 : i32
    %c0_i32_0 = arith.constant 0 : i32
    return %arg0, %c0_i32 : i32, i32
  }
  func.func @transform_5(%arg0: i32) -> (i32, i32) {
    %c0_i32 = arith.constant 0 : i32
    %c0_i32_0 = arith.constant 0 : i32
    return %arg0, %c0_i32 : i32, i32
  }
  func.func @transform_6(%arg0: i32) -> (i32, i32) {
    %c0_i32 = arith.constant 0 : i32
    %c0_i32_0 = arith.constant 0 : i32
    return %arg0, %c0_i32 : i32, i32
  }
}

module attributes {stable_mosaic.version = 14 : i64} {
  func.func @_attn0_body(%arg0: i32, %arg1: memref<1x512x1024xf32, #tpu.memory_space<vmem>>, %arg2: memref<1x512x1024xf32, #tpu.memory_space<vmem>>, %arg3: memref<1024x6xf32, #tpu.memory_space<vmem>>, %arg4: memref<512x6xf32, #tpu.memory_space<vmem>>, %arg5: memref<1024x384xf32, #tpu.memory_space<vmem>>, %arg6: memref<384xf32, #tpu.memory_space<vmem>>, %arg7: memref<512x384xf32, #tpu.memory_space<vmem>>, %arg8: memref<512x1024xf32, #tpu.memory_space<vmem>>, %arg9: memref<6x1024xf32, #tpu.memory_space<vmem>>) attributes {dimension_semantics = [#tpu.dimension_semantics<arbitrary>], iteration_bounds = array<i64: 2>, scalar_prefetch = 0 : i64, scratch_operands = 1 : i64, tpu.core_type = #tpu.core_type<tc>, window_params = [{transform_indices = @transform_0, window_bounds = array<i64: 1, 512, 1024>}, {transform_indices = @transform_1, window_bounds = array<i64: 1, 512, 1024>}, {pipeline_mode = #tpu.pipeline_mode<synchronous>, transform_indices = @transform_2, window_bounds = array<i64: 1024, 6>}, {transform_indices = @transform_3, window_bounds = array<i64: 512, 6>}, {pipeline_mode = #tpu.pipeline_mode<synchronous>, transform_indices = @transform_4, window_bounds = array<i64: 1024, 384>}, {pipeline_mode = #tpu.pipeline_mode<synchronous>, transform_indices = @transform_5, window_bounds = array<i64: 384>}, {transform_indices = @transform_6, window_bounds = array<i64: 512, 384>}, {transform_indices = @transform_7, window_bounds = array<i64: 512, 1024>}]} {
    %eq3A = arith.constant 0 : i32
    %eq3A_0 = arith.cmpi eq, %arg0, %eq3A : i32
    %convert_element_type3A = arith.extui %eq3A_0 : i1 to i32
    %cond3A = arith.constant 0 : i32
    %cond3A_1 = arith.cmpi ne, %convert_element_type3A, %cond3A : i32
    scf.if %cond3A_1 {
      %get3A_238 = arith.constant 0 : index
      %get3A_239 = arith.constant 0 : index
      %get3A_240 = vector.load %arg3[%get3A_238, %get3A_239] : memref<1024x6xf32, #tpu.memory_space<vmem>>, vector<1024x6xf32>
      %transpose3A = tpu.transpose %get3A_240, [1, 0] : vector<1024x6xf32> -> vector<6x1024xf32>
      %swap3A_241 = arith.constant 0 : index
      %swap3A_242 = arith.constant 0 : index
      %swap3A_243 = vector.load %arg9[%swap3A_241, %swap3A_242] : memref<6x1024xf32, #tpu.memory_space<vmem>>, vector<6x1024xf32>
      tpu.vector_store %arg9[%swap3A_241, %swap3A_242], %transpose3A {strides = array<i32>} : memref<6x1024xf32, #tpu.memory_space<vmem>>, vector<6x1024xf32>,
    } else {
    }
    %get3A = arith.constant 0 : index
    %get3A_2 = arith.constant 0 : index
    %get3A_3 = arith.constant 0 : index
    %get3A_4 = vector.load %arg1[%get3A, %get3A_2, %get3A_3] : memref<1x512x1024xf32, #tpu.memory_space<vmem>>, vector<1x512x1024xf32>
    %get3A_5 = vector.shape_cast %get3A_4 : vector<1x512x1024xf32> to vector<512x1024xf32>
    %get3A_6 = arith.constant 0 : index
    %get3A_7 = arith.constant 0 : index
    %get3A_8 = arith.constant 0 : index
    %get3A_9 = vector.load %arg2[%get3A_6, %get3A_7, %get3A_8] : memref<1x512x1024xf32, #tpu.memory_space<vmem>>, vector<1x512x1024xf32>
    %get3A_10 = vector.shape_cast %get3A_9 : vector<1x512x1024xf32> to vector<512x1024xf32>
    %add3A = arith.addf %get3A_5, %get3A_10 : vector<512x1024xf32>
    %swap3A = arith.constant 0 : index
    %swap3A_11 = arith.constant 0 : index
    %swap3A_12 = vector.load %arg8[%swap3A, %swap3A_11] : memref<512x1024xf32, #tpu.memory_space<vmem>>, vector<512x1024xf32>
    tpu.vector_store %arg8[%swap3A, %swap3A_11], %add3A {strides = array<i32>} : memref<512x1024xf32, #tpu.memory_space<vmem>>, vector<512x1024xf32>,
    %get3A_13 = arith.constant 0 : index
    %get3A_14 = arith.constant 0 : index
    %get3A_15 = vector.load %arg4[%get3A_13, %get3A_14] : memref<512x6xf32, #tpu.memory_space<vmem>>, vector<512x6xf32>
    %get3A_16 = arith.constant 0 : index
    %get3A_17 = arith.constant 0 : index
    %get3A_18 = vector.load %arg9[%get3A_16, %get3A_17] : memref<6x1024xf32, #tpu.memory_space<vmem>>, vector<1x1024xf32>
    %get3A_19 = vector.shape_cast %get3A_18 : vector<1x1024xf32> to vector<1024xf32>
    %slice3A = vector.extract_strided_slice %get3A_15 {offsets = [0, 0], sizes = [512, 1], strides = [1, 1]} : vector<512x6xf32> to vector<512x1xf32>
    %broadcast_in_dim3A = vector.shape_cast %get3A_19 : vector<1024xf32> to vector<1x1024xf32>
    %add3A_20 = vector.broadcast %slice3A : vector<512x1xf32> to vector<512x1024xf32>
    %add3A_21 = vector.broadcast %broadcast_in_dim3A : vector<1x1024xf32> to vector<512x1024xf32>
    %add3A_22 = arith.addf %add3A_20, %add3A_21 : vector<512x1024xf32>
    %mul3A = arith.constant 2.000000e-01 : f32
    %mul3A_23 = vector.broadcast %mul3A : f32 to vector<512x1024xf32>
    %mul3A_24 = arith.mulf %mul3A_23, %add3A_22 : vector<512x1024xf32>
    %max3A = arith.maximumf %add3A_22, %mul3A_24 : vector<512x1024xf32>
    %reduce_max3A = arith.constant dense<0xFF800000> : vector<512xf32>
    %reduce_max3A_25 = vector.multi_reduction <maximumf>, %max3A, %reduce_max3A [1] : vector<512x1024xf32> to vector<512xf32>
    %broadcast_in_dim3A_26 = vector.shape_cast %reduce_max3A_25 : vector<512xf32> to vector<512x1xf32>
    %sub3A = vector.broadcast %broadcast_in_dim3A_26 : vector<512x1xf32> to vector<512x1024xf32>
    %sub3A_27 = arith.subf %max3A, %sub3A : vector<512x1024xf32>
    %exp3A = math.exp %sub3A_27 : vector<512x1024xf32>
    %mul3A_28 = arith.mulf %add3A, %exp3A : vector<512x1024xf32>
    %reduce_sum3A = arith.constant dense<0.000000e+00> : vector<512xf32>
    %reduce_sum3A_29 = vector.multi_reduction <add>, %mul3A_28, %reduce_sum3A [1] : vector<512x1024xf32> to vector<512xf32>
    %broadcast_in_dim3A_30 = vector.shape_cast %reduce_sum3A_29 : vector<512xf32> to vector<512x1xf32>
    %get3A_31 = arith.constant 0 : index
    %get3A_32 = arith.constant 0 : index
    %get3A_33 = vector.load %arg5[%get3A_31, %get3A_32] : memref<1024x384xf32, #tpu.memory_space<vmem>>, vector<1024x64xf32>
    %dot_general3A = arith.constant dense<0.000000e+00> : vector<512x64xf32>
    %dot_general3A_34 = tpu.matmul %mul3A_28, %get3A_33, %dot_general3A {dimension_numbers = #tpu.dot_dimension_numbers<[1], [0], [0], [1], [0, 0, 1, 1], [], []>, precision = #tpu.contract_precision<fp32>, transpose_lhs_hint = false} : vector<512x1024xf32>, vector<1024x64xf32>, vector<512x64xf32> -> vector<512x64xf32>
    %add3A_35 = arith.constant 9.99999996E-13 : f32
    %add3A_36 = vector.broadcast %add3A_35 : f32 to vector<512x1xf32>
    %add3A_37 = arith.addf %broadcast_in_dim3A_30, %add3A_36 : vector<512x1xf32>
    %div3A = arith.constant 1.000000e+00 : f32
    %div3A_38 = vector.broadcast %div3A : f32 to vector<512x1xf32>
    %div3A_39 = arith.divf %div3A_38, %add3A_37 : vector<512x1xf32>
    %mul3A_40 = vector.broadcast %div3A_39 : vector<512x1xf32> to vector<512x64xf32>
    %mul3A_41 = arith.mulf %dot_general3A_34, %mul3A_40 : vector<512x64xf32>
    %get3A_42 = arith.constant 1 : index
    %get3A_43 = arith.constant 0 : index
    %get3A_44 = vector.load %arg9[%get3A_42, %get3A_43] : memref<6x1024xf32, #tpu.memory_space<vmem>>, vector<1x1024xf32>
    %get3A_45 = vector.shape_cast %get3A_44 : vector<1x1024xf32> to vector<1024xf32>
    %slice3A_46 = vector.extract_strided_slice %get3A_15 {offsets = [0, 1], sizes = [512, 1], strides = [1, 1]} : vector<512x6xf32> to vector<512x1xf32>
    %broadcast_in_dim3A_47 = vector.shape_cast %get3A_45 : vector<1024xf32> to vector<1x1024xf32>
    %add3A_48 = vector.broadcast %slice3A_46 : vector<512x1xf32> to vector<512x1024xf32>
    %add3A_49 = vector.broadcast %broadcast_in_dim3A_47 : vector<1x1024xf32> to vector<512x1024xf32>
    %add3A_50 = arith.addf %add3A_48, %add3A_49 : vector<512x1024xf32>
    %mul3A_51 = arith.constant 2.000000e-01 : f32
    %mul3A_52 = vector.broadcast %mul3A_51 : f32 to vector<512x1024xf32>
    %mul3A_53 = arith.mulf %mul3A_52, %add3A_50 : vector<512x1024xf32>
    %max3A_54 = arith.maximumf %add3A_50, %mul3A_53 : vector<512x1024xf32>
    %reduce_max3A_55 = arith.constant dense<0xFF800000> : vector<512xf32>
    %reduce_max3A_56 = vector.multi_reduction <maximumf>, %max3A_54, %reduce_max3A_55 [1] : vector<512x1024xf32> to vector<512xf32>
    %broadcast_in_dim3A_57 = vector.shape_cast %reduce_max3A_56 : vector<512xf32> to vector<512x1xf32>
    %sub3A_58 = vector.broadcast %broadcast_in_dim3A_57 : vector<512x1xf32> to vector<512x1024xf32>
    %sub3A_59 = arith.subf %max3A_54, %sub3A_58 : vector<512x1024xf32>
    %exp3A_60 = math.exp %sub3A_59 : vector<512x1024xf32>
    %mul3A_61 = arith.mulf %add3A, %exp3A_60 : vector<512x1024xf32>
    %reduce_sum3A_62 = arith.constant dense<0.000000e+00> : vector<512xf32>
    %reduce_sum3A_63 = vector.multi_reduction <add>, %mul3A_61, %reduce_sum3A_62 [1] : vector<512x1024xf32> to vector<512xf32>
    %broadcast_in_dim3A_64 = vector.shape_cast %reduce_sum3A_63 : vector<512xf32> to vector<512x1xf32>
    %get3A_65 = arith.constant 0 : index
    %get3A_66 = arith.constant 64 : index
    %get3A_67 = vector.load %arg5[%get3A_65, %get3A_66] : memref<1024x384xf32, #tpu.memory_space<vmem>>, vector<1024x64xf32>
    %dot_general3A_68 = arith.constant dense<0.000000e+00> : vector<512x64xf32>
    %dot_general3A_69 = tpu.matmul %mul3A_61, %get3A_67, %dot_general3A_68 {dimension_numbers = #tpu.dot_dimension_numbers<[1], [0], [0], [1], [0, 0, 1, 1], [], []>, precision = #tpu.contract_precision<fp32>, transpose_lhs_hint = false} : vector<512x1024xf32>, vector<1024x64xf32>, vector<512x64xf32> -> vector<512x64xf32>
    %add3A_70 = arith.constant 9.99999996E-13 : f32
    %add3A_71 = vector.broadcast %add3A_70 : f32 to vector<512x1xf32>
    %add3A_72 = arith.addf %broadcast_in_dim3A_64, %add3A_71 : vector<512x1xf32>
    %div3A_73 = arith.constant 1.000000e+00 : f32
    %div3A_74 = vector.broadcast %div3A_73 : f32 to vector<512x1xf32>
    %div3A_75 = arith.divf %div3A_74, %add3A_72 : vector<512x1xf32>
    %mul3A_76 = vector.broadcast %div3A_75 : vector<512x1xf32> to vector<512x64xf32>
    %mul3A_77 = arith.mulf %dot_general3A_69, %mul3A_76 : vector<512x64xf32>
    %get3A_78 = arith.constant 2 : index
    %get3A_79 = arith.constant 0 : index
    %get3A_80 = vector.load %arg9[%get3A_78, %get3A_79] : memref<6x1024xf32, #tpu.memory_space<vmem>>, vector<1x1024xf32>
    %get3A_81 = vector.shape_cast %get3A_80 : vector<1x1024xf32> to vector<1024xf32>
    %slice3A_82 = vector.extract_strided_slice %get3A_15 {offsets = [0, 2], sizes = [512, 1], strides = [1, 1]} : vector<512x6xf32> to vector<512x1xf32>
    %broadcast_in_dim3A_83 = vector.shape_cast %get3A_81 : vector<1024xf32> to vector<1x1024xf32>
    %add3A_84 = vector.broadcast %slice3A_82 : vector<512x1xf32> to vector<512x1024xf32>
    %add3A_85 = vector.broadcast %broadcast_in_dim3A_83 : vector<1x1024xf32> to vector<512x1024xf32>
    %add3A_86 = arith.addf %add3A_84, %add3A_85 : vector<512x1024xf32>
    %mul3A_87 = arith.constant 2.000000e-01 : f32
    %mul3A_88 = vector.broadcast %mul3A_87 : f32 to vector<512x1024xf32>
    %mul3A_89 = arith.mulf %mul3A_88, %add3A_86 : vector<512x1024xf32>
    %max3A_90 = arith.maximumf %add3A_86, %mul3A_89 : vector<512x1024xf32>
    %reduce_max3A_91 = arith.constant dense<0xFF800000> : vector<512xf32>
    %reduce_max3A_92 = vector.multi_reduction <maximumf>, %max3A_90, %reduce_max3A_91 [1] : vector<512x1024xf32> to vector<512xf32>
    %broadcast_in_dim3A_93 = vector.shape_cast %reduce_max3A_92 : vector<512xf32> to vector<512x1xf32>
    %sub3A_94 = vector.broadcast %broadcast_in_dim3A_93 : vector<512x1xf32> to vector<512x1024xf32>
    %sub3A_95 = arith.subf %max3A_90, %sub3A_94 : vector<512x1024xf32>
    %exp3A_96 = math.exp %sub3A_95 : vector<512x1024xf32>
    %mul3A_97 = arith.mulf %add3A, %exp3A_96 : vector<512x1024xf32>
    %reduce_sum3A_98 = arith.constant dense<0.000000e+00> : vector<512xf32>
    %reduce_sum3A_99 = vector.multi_reduction <add>, %mul3A_97, %reduce_sum3A_98 [1] : vector<512x1024xf32> to vector<512xf32>
    %broadcast_in_dim3A_100 = vector.shape_cast %reduce_sum3A_99 : vector<512xf32> to vector<512x1xf32>
    %get3A_101 = arith.constant 0 : index
    %get3A_102 = arith.constant 128 : index
    %get3A_103 = vector.load %arg5[%get3A_101, %get3A_102] : memref<1024x384xf32, #tpu.memory_space<vmem>>, vector<1024x64xf32>
    %dot_general3A_104 = arith.constant dense<0.000000e+00> : vector<512x64xf32>
    %dot_general3A_105 = tpu.matmul %mul3A_97, %get3A_103, %dot_general3A_104 {dimension_numbers = #tpu.dot_dimension_numbers<[1], [0], [0], [1], [0, 0, 1, 1], [], []>, precision = #tpu.contract_precision<fp32>, transpose_lhs_hint = false} : vector<512x1024xf32>, vector<1024x64xf32>, vector<512x64xf32> -> vector<512x64xf32>
    %add3A_106 = arith.constant 9.99999996E-13 : f32
    %add3A_107 = vector.broadcast %add3A_106 : f32 to vector<512x1xf32>
    %add3A_108 = arith.addf %broadcast_in_dim3A_100, %add3A_107 : vector<512x1xf32>
    %div3A_109 = arith.constant 1.000000e+00 : f32
    %div3A_110 = vector.broadcast %div3A_109 : f32 to vector<512x1xf32>
    %div3A_111 = arith.divf %div3A_110, %add3A_108 : vector<512x1xf32>
    %mul3A_112 = vector.broadcast %div3A_111 : vector<512x1xf32> to vector<512x64xf32>
    %mul3A_113 = arith.mulf %dot_general3A_105, %mul3A_112 : vector<512x64xf32>
    %get3A_114 = arith.constant 3 : index
    %get3A_115 = arith.constant 0 : index
    %get3A_116 = vector.load %arg9[%get3A_114, %get3A_115] : memref<6x1024xf32, #tpu.memory_space<vmem>>, vector<1x1024xf32>
    %get3A_117 = vector.shape_cast %get3A_116 : vector<1x1024xf32> to vector<1024xf32>
    %slice3A_118 = vector.extract_strided_slice %get3A_15 {offsets = [0, 3], sizes = [512, 1], strides = [1, 1]} : vector<512x6xf32> to vector<512x1xf32>
    %broadcast_in_dim3A_119 = vector.shape_cast %get3A_117 : vector<1024xf32> to vector<1x1024xf32>
    %add3A_120 = vector.broadcast %slice3A_118 : vector<512x1xf32> to vector<512x1024xf32>
    %add3A_121 = vector.broadcast %broadcast_in_dim3A_119 : vector<1x1024xf32> to vector<512x1024xf32>
    %add3A_122 = arith.addf %add3A_120, %add3A_121 : vector<512x1024xf32>
    %mul3A_123 = arith.constant 2.000000e-01 : f32
    %mul3A_124 = vector.broadcast %mul3A_123 : f32 to vector<512x1024xf32>
    %mul3A_125 = arith.mulf %mul3A_124, %add3A_122 : vector<512x1024xf32>
    %max3A_126 = arith.maximumf %add3A_122, %mul3A_125 : vector<512x1024xf32>
    %reduce_max3A_127 = arith.constant dense<0xFF800000> : vector<512xf32>
    %reduce_max3A_128 = vector.multi_reduction <maximumf>, %max3A_126, %reduce_max3A_127 [1] : vector<512x1024xf32> to vector<512xf32>
    %broadcast_in_dim3A_129 = vector.shape_cast %reduce_max3A_128 : vector<512xf32> to vector<512x1xf32>
    %sub3A_130 = vector.broadcast %broadcast_in_dim3A_129 : vector<512x1xf32> to vector<512x1024xf32>
    %sub3A_131 = arith.subf %max3A_126, %sub3A_130 : vector<512x1024xf32>
    %exp3A_132 = math.exp %sub3A_131 : vector<512x1024xf32>
    %mul3A_133 = arith.mulf %add3A, %exp3A_132 : vector<512x1024xf32>
    %reduce_sum3A_134 = arith.constant dense<0.000000e+00> : vector<512xf32>
    %reduce_sum3A_135 = vector.multi_reduction <add>, %mul3A_133, %reduce_sum3A_134 [1] : vector<512x1024xf32> to vector<512xf32>
    %broadcast_in_dim3A_136 = vector.shape_cast %reduce_sum3A_135 : vector<512xf32> to vector<512x1xf32>
    %get3A_137 = arith.constant 0 : index
    %get3A_138 = arith.constant 192 : index
    %get3A_139 = vector.load %arg5[%get3A_137, %get3A_138] : memref<1024x384xf32, #tpu.memory_space<vmem>>, vector<1024x64xf32>
    %dot_general3A_140 = arith.constant dense<0.000000e+00> : vector<512x64xf32>
    %dot_general3A_141 = tpu.matmul %mul3A_133, %get3A_139, %dot_general3A_140 {dimension_numbers = #tpu.dot_dimension_numbers<[1], [0], [0], [1], [0, 0, 1, 1], [], []>, precision = #tpu.contract_precision<fp32>, transpose_lhs_hint = false} : vector<512x1024xf32>, vector<1024x64xf32>, vector<512x64xf32> -> vector<512x64xf32>
    %add3A_142 = arith.constant 9.99999996E-13 : f32
    %add3A_143 = vector.broadcast %add3A_142 : f32 to vector<512x1xf32>
    %add3A_144 = arith.addf %broadcast_in_dim3A_136, %add3A_143 : vector<512x1xf32>
    %div3A_145 = arith.constant 1.000000e+00 : f32
    %div3A_146 = vector.broadcast %div3A_145 : f32 to vector<512x1xf32>
    %div3A_147 = arith.divf %div3A_146, %add3A_144 : vector<512x1xf32>
    %mul3A_148 = vector.broadcast %div3A_147 : vector<512x1xf32> to vector<512x64xf32>
    %mul3A_149 = arith.mulf %dot_general3A_141, %mul3A_148 : vector<512x64xf32>
    %get3A_150 = arith.constant 4 : index
    %get3A_151 = arith.constant 0 : index
    %get3A_152 = vector.load %arg9[%get3A_150, %get3A_151] : memref<6x1024xf32, #tpu.memory_space<vmem>>, vector<1x1024xf32>
    %get3A_153 = vector.shape_cast %get3A_152 : vector<1x1024xf32> to vector<1024xf32>
    %slice3A_154 = vector.extract_strided_slice %get3A_15 {offsets = [0, 4], sizes = [512, 1], strides = [1, 1]} : vector<512x6xf32> to vector<512x1xf32>
    %broadcast_in_dim3A_155 = vector.shape_cast %get3A_153 : vector<1024xf32> to vector<1x1024xf32>
    %add3A_156 = vector.broadcast %slice3A_154 : vector<512x1xf32> to vector<512x1024xf32>
    %add3A_157 = vector.broadcast %broadcast_in_dim3A_155 : vector<1x1024xf32> to vector<512x1024xf32>
    %add3A_158 = arith.addf %add3A_156, %add3A_157 : vector<512x1024xf32>
    %mul3A_159 = arith.constant 2.000000e-01 : f32
    %mul3A_160 = vector.broadcast %mul3A_159 : f32 to vector<512x1024xf32>
    %mul3A_161 = arith.mulf %mul3A_160, %add3A_158 : vector<512x1024xf32>
    %max3A_162 = arith.maximumf %add3A_158, %mul3A_161 : vector<512x1024xf32>
    %reduce_max3A_163 = arith.constant dense<0xFF800000> : vector<512xf32>
    %reduce_max3A_164 = vector.multi_reduction <maximumf>, %max3A_162, %reduce_max3A_163 [1] : vector<512x1024xf32> to vector<512xf32>
    %broadcast_in_dim3A_165 = vector.shape_cast %reduce_max3A_164 : vector<512xf32> to vector<512x1xf32>
    %sub3A_166 = vector.broadcast %broadcast_in_dim3A_165 : vector<512x1xf32> to vector<512x1024xf32>
    %sub3A_167 = arith.subf %max3A_162, %sub3A_166 : vector<512x1024xf32>
    %exp3A_168 = math.exp %sub3A_167 : vector<512x1024xf32>
    %mul3A_169 = arith.mulf %add3A, %exp3A_168 : vector<512x1024xf32>
    %reduce_sum3A_170 = arith.constant dense<0.000000e+00> : vector<512xf32>
    %reduce_sum3A_171 = vector.multi_reduction <add>, %mul3A_169, %reduce_sum3A_170 [1] : vector<512x1024xf32> to vector<512xf32>
    %broadcast_in_dim3A_172 = vector.shape_cast %reduce_sum3A_171 : vector<512xf32> to vector<512x1xf32>
    %get3A_173 = arith.constant 0 : index
    %get3A_174 = arith.constant 256 : index
    %get3A_175 = vector.load %arg5[%get3A_173, %get3A_174] : memref<1024x384xf32, #tpu.memory_space<vmem>>, vector<1024x64xf32>
    %dot_general3A_176 = arith.constant dense<0.000000e+00> : vector<512x64xf32>
    %dot_general3A_177 = tpu.matmul %mul3A_169, %get3A_175, %dot_general3A_176 {dimension_numbers = #tpu.dot_dimension_numbers<[1], [0], [0], [1], [0, 0, 1, 1], [], []>, precision = #tpu.contract_precision<fp32>, transpose_lhs_hint = false} : vector<512x1024xf32>, vector<1024x64xf32>, vector<512x64xf32> -> vector<512x64xf32>
    %add3A_178 = arith.constant 9.99999996E-13 : f32
    %add3A_179 = vector.broadcast %add3A_178 : f32 to vector<512x1xf32>
    %add3A_180 = arith.addf %broadcast_in_dim3A_172, %add3A_179 : vector<512x1xf32>
    %div3A_181 = arith.constant 1.000000e+00 : f32
    %div3A_182 = vector.broadcast %div3A_181 : f32 to vector<512x1xf32>
    %div3A_183 = arith.divf %div3A_182, %add3A_180 : vector<512x1xf32>
    %mul3A_184 = vector.broadcast %div3A_183 : vector<512x1xf32> to vector<512x64xf32>
    %mul3A_185 = arith.mulf %dot_general3A_177, %mul3A_184 : vector<512x64xf32>
    %get3A_186 = arith.constant 5 : index
    %get3A_187 = arith.constant 0 : index
    %get3A_188 = vector.load %arg9[%get3A_186, %get3A_187] : memref<6x1024xf32, #tpu.memory_space<vmem>>, vector<1x1024xf32>
    %get3A_189 = vector.shape_cast %get3A_188 : vector<1x1024xf32> to vector<1024xf32>
    %slice3A_190 = vector.extract_strided_slice %get3A_15 {offsets = [0, 5], sizes = [512, 1], strides = [1, 1]} : vector<512x6xf32> to vector<512x1xf32>
    %broadcast_in_dim3A_191 = vector.shape_cast %get3A_189 : vector<1024xf32> to vector<1x1024xf32>
    %add3A_192 = vector.broadcast %slice3A_190 : vector<512x1xf32> to vector<512x1024xf32>
    %add3A_193 = vector.broadcast %broadcast_in_dim3A_191 : vector<1x1024xf32> to vector<512x1024xf32>
    %add3A_194 = arith.addf %add3A_192, %add3A_193 : vector<512x1024xf32>
    %mul3A_195 = arith.constant 2.000000e-01 : f32
    %mul3A_196 = vector.broadcast %mul3A_195 : f32 to vector<512x1024xf32>
    %mul3A_197 = arith.mulf %mul3A_196, %add3A_194 : vector<512x1024xf32>
    %max3A_198 = arith.maximumf %add3A_194, %mul3A_197 : vector<512x1024xf32>
    %reduce_max3A_199 = arith.constant dense<0xFF800000> : vector<512xf32>
    %reduce_max3A_200 = vector.multi_reduction <maximumf>, %max3A_198, %reduce_max3A_199 [1] : vector<512x1024xf32> to vector<512xf32>
    %broadcast_in_dim3A_201 = vector.shape_cast %reduce_max3A_200 : vector<512xf32> to vector<512x1xf32>
    %sub3A_202 = vector.broadcast %broadcast_in_dim3A_201 : vector<512x1xf32> to vector<512x1024xf32>
    %sub3A_203 = arith.subf %max3A_198, %sub3A_202 : vector<512x1024xf32>
    %exp3A_204 = math.exp %sub3A_203 : vector<512x1024xf32>
    %mul3A_205 = arith.mulf %add3A, %exp3A_204 : vector<512x1024xf32>
    %reduce_sum3A_206 = arith.constant dense<0.000000e+00> : vector<512xf32>
    %reduce_sum3A_207 = vector.multi_reduction <add>, %mul3A_205, %reduce_sum3A_206 [1] : vector<512x1024xf32> to vector<512xf32>
    %broadcast_in_dim3A_208 = vector.shape_cast %reduce_sum3A_207 : vector<512xf32> to vector<512x1xf32>
    %get3A_209 = arith.constant 0 : index
    %get3A_210 = arith.constant 320 : index
    %get3A_211 = vector.load %arg5[%get3A_209, %get3A_210] : memref<1024x384xf32, #tpu.memory_space<vmem>>, vector<1024x64xf32>
    %dot_general3A_212 = arith.constant dense<0.000000e+00> : vector<512x64xf32>
    %dot_general3A_213 = tpu.matmul %mul3A_205, %get3A_211, %dot_general3A_212 {dimension_numbers = #tpu.dot_dimension_numbers<[1], [0], [0], [1], [0, 0, 1, 1], [], []>, precision = #tpu.contract_precision<fp32>, transpose_lhs_hint = false} : vector<512x1024xf32>, vector<1024x64xf32>, vector<512x64xf32> -> vector<512x64xf32>
    %add3A_214 = arith.constant 9.99999996E-13 : f32
    %add3A_215 = vector.broadcast %add3A_214 : f32 to vector<512x1xf32>
    %add3A_216 = arith.addf %broadcast_in_dim3A_208, %add3A_215 : vector<512x1xf32>
    %div3A_217 = arith.constant 1.000000e+00 : f32
    %div3A_218 = vector.broadcast %div3A_217 : f32 to vector<512x1xf32>
    %div3A_219 = arith.divf %div3A_218, %add3A_216 : vector<512x1xf32>
    %mul3A_220 = vector.broadcast %div3A_219 : vector<512x1xf32> to vector<512x64xf32>
    %mul3A_221 = arith.mulf %dot_general3A_213, %mul3A_220 : vector<512x64xf32>
    %concatenate3A = tpu.concatenate %mul3A_41, %mul3A_77, %mul3A_113, %mul3A_149, %mul3A_185, %mul3A_221 in 1 : vector<512x64xf32>, vector<512x64xf32>, vector<512x64xf32>, vector<512x64xf32>, vector<512x64xf32>, vector<512x64xf32> -> vector<512x384xf32>
    %get3A_222 = arith.constant 0 : index
    %get3A_223 = vector.load %arg6[%get3A_222] : memref<384xf32, #tpu.memory_space<vmem>>, vector<384xf32>
    %broadcast_in_dim3A_224 = vector.shape_cast %get3A_223 : vector<384xf32> to vector<1x384xf32>
    %add3A_225 = vector.broadcast %broadcast_in_dim3A_224 : vector<1x384xf32> to vector<512x384xf32>
    %add3A_226 = arith.addf %concatenate3A, %add3A_225 : vector<512x384xf32>
    %gt3A = arith.constant 0.000000e+00 : f32
    %gt3A_227 = vector.broadcast %gt3A : f32 to vector<512x384xf32>
    %gt3A_228 = arith.cmpf ogt, %add3A_226, %gt3A_227 : vector<512x384xf32>
    %min3A = arith.constant 0.000000e+00 : f32
    %min3A_229 = vector.broadcast %min3A : f32 to vector<512x384xf32>
    %min3A_230 = arith.minimumf %add3A_226, %min3A_229 : vector<512x384xf32>
    %exp3A_231 = math.exp %min3A_230 : vector<512x384xf32>
    %sub3A_232 = arith.constant 1.000000e+00 : f32
    %sub3A_233 = vector.broadcast %sub3A_232 : f32 to vector<512x384xf32>
    %sub3A_234 = arith.subf %exp3A_231, %sub3A_233 : vector<512x384xf32>
    %select_n3A = arith.select %gt3A_228, %add3A_226, %sub3A_234 : vector<512x384xi1>, vector<512x384xf32>
    %swap3A_235 = arith.constant 0 : index
    %swap3A_236 = arith.constant 0 : index
    %swap3A_237 = vector.load %arg7[%swap3A_235, %swap3A_236] : memref<512x384xf32, #tpu.memory_space<vmem>>, vector<512x384xf32>
    tpu.vector_store %arg7[%swap3A_235, %swap3A_236], %select_n3A {strides = array<i32>} : memref<512x384xf32, #tpu.memory_space<vmem>>, vector<512x384xf32>,
    return
  }
  func.func @transform_0(%arg0: i32) -> (i32, i32, i32) {
    %c0_i32 = arith.constant 0 : i32
    %c0_i32_0 = arith.constant 0 : i32
    %c0_i32_1 = arith.constant 0 : i32
    return %c0_i32, %arg0, %c0_i32_0 : i32, i32, i32
  }
  func.func @transform_1(%arg0: i32) -> (i32, i32, i32) {
    %c1_i32 = arith.constant 1 : i32
    %c0_i32 = arith.constant 0 : i32
    %c0_i32_0 = arith.constant 0 : i32
    return %c1_i32, %arg0, %c0_i32 : i32, i32, i32
  }
  func.func @transform_2(%arg0: i32) -> (i32, i32) {
    %c0_i32 = arith.constant 0 : i32
    %c0_i32_0 = arith.constant 0 : i32
    %c0_i32_1 = arith.constant 0 : i32
    return %c0_i32, %c0_i32_0 : i32, i32
  }
  func.func @transform_3(%arg0: i32) -> (i32, i32) {
    %c0_i32 = arith.constant 0 : i32
    %c0_i32_0 = arith.constant 0 : i32
    return %arg0, %c0_i32 : i32, i32
  }
  func.func @transform_4(%arg0: i32) -> (i32, i32) {
    %c0_i32 = arith.constant 0 : i32
    %c0_i32_0 = arith.constant 0 : i32
    %c0_i32_1 = arith.constant 0 : i32
    return %c0_i32, %c0_i32_0 : i32, i32
  }
  func.func @transform_5(%arg0: i32) -> i32 {
    %c0_i32 = arith.constant 0 : i32
    %c0_i32_0 = arith.constant 0 : i32
    return %c0_i32 : i32
  }
  func.func @transform_6(%arg0: i32) -> (i32, i32) {
    %c0_i32 = arith.constant 0 : i32
    %c0_i32_0 = arith.constant 0 : i32
    return %arg0, %c0_i32 : i32, i32
  }
  func.func @transform_7(%arg0: i32) -> (i32, i32) {
    %c0_i32 = arith.constant 0 : i32
    %c0_i32_0 = arith.constant 0 : i32
    return %arg0, %c0_i32 : i32, i32
  }
}

module attributes {stable_mosaic.version = 14 : i64} {
  func.func @_layer_body(%arg0: i32, %arg1: memref<512x384xf32, #tpu.memory_space<vmem>>, %arg2: memref<384x384xf32, #tpu.memory_space<vmem>>, %arg3: memref<6x64xf32, #tpu.memory_space<vmem>>, %arg4: memref<6x64xf32, #tpu.memory_space<vmem>>, %arg5: memref<512x1024xf32, #tpu.memory_space<vmem>>, %arg6: memref<384xf32, #tpu.memory_space<vmem>>, %arg7: memref<512x384xf32, #tpu.memory_space<vmem>>, %arg8: memref<1024x384xf32, #tpu.memory_space<vmem>>, %arg9: memref<1024x6xf32, #tpu.memory_space<vmem>>, %arg10: memref<1024x6xf32, #tpu.memory_space<vmem>>, %arg11: memref<6x1024xf32, #tpu.memory_space<vmem>>) attributes {dimension_semantics = [#tpu.dimension_semantics<arbitrary>], iteration_bounds = array<i64: 4>, scalar_prefetch = 0 : i64, scratch_operands = 4 : i64, tpu.core_type = #tpu.core_type<tc>, window_params = [{transform_indices = @transform_0, window_bounds = array<i64: 512, 384>}, {pipeline_mode = #tpu.pipeline_mode<synchronous>, transform_indices = @transform_1, window_bounds = array<i64: 384, 384>}, {pipeline_mode = #tpu.pipeline_mode<synchronous>, transform_indices = @transform_2, window_bounds = array<i64: 6, 64>}, {pipeline_mode = #tpu.pipeline_mode<synchronous>, transform_indices = @transform_3, window_bounds = array<i64: 6, 64>}, {transform_indices = @transform_4, window_bounds = array<i64: 512, 1024>}, {pipeline_mode = #tpu.pipeline_mode<synchronous>, transform_indices = @transform_5, window_bounds = array<i64: 384>}, {transform_indices = @transform_6, window_bounds = array<i64: 512, 384>}]} {
    %lt3A = arith.constant 2 : i32
    %lt3A_0 = arith.cmpi slt, %arg0, %lt3A : i32
    %convert_element_type3A = arith.extui %lt3A_0 : i1 to i32
    %cond3A = arith.constant 0 : i32
    %cond3A_1 = arith.cmpi ne, %convert_element_type3A, %cond3A : i32
    scf.if %cond3A_1 {
      %get3A = arith.constant 0 : index
      %get3A_12 = arith.constant 0 : index
      %get3A_13 = vector.load %arg1[%get3A, %get3A_12] : memref<512x384xf32, #tpu.memory_space<vmem>>, vector<512x384xf32>
      %get3A_14 = arith.constant 0 : index
      %get3A_15 = arith.constant 0 : index
      %get3A_16 = vector.load %arg2[%get3A_14, %get3A_15] : memref<384x384xf32, #tpu.memory_space<vmem>>, vector<384x384xf32>
      %dot_general3A = arith.constant dense<0.000000e+00> : vector<512x384xf32>
      %dot_general3A_17 = tpu.matmul %get3A_13, %get3A_16, %dot_general3A {dimension_numbers = #tpu.dot_dimension_numbers<[1], [0], [0], [1], [0, 0, 1, 1], [], []>, transpose_lhs_hint = false} : vector<512x384xf32>, vector<384x384xf32>, vector<512x384xf32> -> vector<512x384xf32>
      %slice3A = vector.extract_strided_slice %dot_general3A_17 {offsets = [0, 0], sizes = [512, 64], strides = [1, 1]} : vector<512x384xf32> to vector<512x64xf32>
      %get3A_18 = arith.constant 0 : index
      %get3A_19 = arith.constant 0 : index
      %get3A_20 = vector.load %arg3[%get3A_18, %get3A_19] : memref<6x64xf32, #tpu.memory_space<vmem>>, vector<1x64xf32>
      %get3A_21 = vector.shape_cast %get3A_20 : vector<1x64xf32> to vector<64xf32>
      %broadcast_in_dim3A = vector.shape_cast %get3A_21 : vector<64xf32> to vector<1x64xf32>
      %mul3A = vector.broadcast %broadcast_in_dim3A : vector<1x64xf32> to vector<512x64xf32>
      %mul3A_22 = arith.mulf %slice3A, %mul3A : vector<512x64xf32>
      %reduce_sum3A = arith.constant dense<0.000000e+00> : vector<512xf32>
      %reduce_sum3A_23 = vector.multi_reduction <add>, %mul3A_22, %reduce_sum3A [1] : vector<512x64xf32> to vector<512xf32>
      %broadcast_in_dim3A_24 = vector.shape_cast %reduce_sum3A_23 : vector<512xf32> to vector<512x1xf32>
      %get3A_25 = arith.constant 0 : index
      %get3A_26 = arith.constant 0 : index
      %get3A_27 = vector.load %arg4[%get3A_25, %get3A_26] : memref<6x64xf32, #tpu.memory_space<vmem>>, vector<1x64xf32>
      %get3A_28 = vector.shape_cast %get3A_27 : vector<1x64xf32> to vector<64xf32>
      %broadcast_in_dim3A_29 = vector.shape_cast %get3A_28 : vector<64xf32> to vector<1x64xf32>
      %mul3A_30 = vector.broadcast %broadcast_in_dim3A_29 : vector<1x64xf32> to vector<512x64xf32>
      %mul3A_31 = arith.mulf %slice3A, %mul3A_30 : vector<512x64xf32>
      %reduce_sum3A_32 = arith.constant dense<0.000000e+00> : vector<512xf32>
      %reduce_sum3A_33 = vector.multi_reduction <add>, %mul3A_31, %reduce_sum3A_32 [1] : vector<512x64xf32> to vector<512xf32>
      %broadcast_in_dim3A_34 = vector.shape_cast %reduce_sum3A_33 : vector<512xf32> to vector<512x1xf32>
      %slice3A_35 = vector.extract_strided_slice %dot_general3A_17 {offsets = [0, 64], sizes = [512, 64], strides = [1, 1]} : vector<512x384xf32> to vector<512x64xf32>
      %get3A_36 = arith.constant 1 : index
      %get3A_37 = arith.constant 0 : index
      %get3A_38 = vector.load %arg3[%get3A_36, %get3A_37] : memref<6x64xf32, #tpu.memory_space<vmem>>, vector<1x64xf32>
      %get3A_39 = vector.shape_cast %get3A_38 : vector<1x64xf32> to vector<64xf32>
      %broadcast_in_dim3A_40 = vector.shape_cast %get3A_39 : vector<64xf32> to vector<1x64xf32>
      %mul3A_41 = vector.broadcast %broadcast_in_dim3A_40 : vector<1x64xf32> to vector<512x64xf32>
      %mul3A_42 = arith.mulf %slice3A_35, %mul3A_41 : vector<512x64xf32>
      %reduce_sum3A_43 = arith.constant dense<0.000000e+00> : vector<512xf32>
      %reduce_sum3A_44 = vector.multi_reduction <add>, %mul3A_42, %reduce_sum3A_43 [1] : vector<512x64xf32> to vector<512xf32>
      %broadcast_in_dim3A_45 = vector.shape_cast %reduce_sum3A_44 : vector<512xf32> to vector<512x1xf32>
      %get3A_46 = arith.constant 1 : index
      %get3A_47 = arith.constant 0 : index
      %get3A_48 = vector.load %arg4[%get3A_46, %get3A_47] : memref<6x64xf32, #tpu.memory_space<vmem>>, vector<1x64xf32>
      %get3A_49 = vector.shape_cast %get3A_48 : vector<1x64xf32> to vector<64xf32>
      %broadcast_in_dim3A_50 = vector.shape_cast %get3A_49 : vector<64xf32> to vector<1x64xf32>
      %mul3A_51 = vector.broadcast %broadcast_in_dim3A_50 : vector<1x64xf32> to vector<512x64xf32>
      %mul3A_52 = arith.mulf %slice3A_35, %mul3A_51 : vector<512x64xf32>
      %reduce_sum3A_53 = arith.constant dense<0.000000e+00> : vector<512xf32>
      %reduce_sum3A_54 = vector.multi_reduction <add>, %mul3A_52, %reduce_sum3A_53 [1] : vector<512x64xf32> to vector<512xf32>
      %broadcast_in_dim3A_55 = vector.shape_cast %reduce_sum3A_54 : vector<512xf32> to vector<512x1xf32>
      %slice3A_56 = vector.extract_strided_slice %dot_general3A_17 {offsets = [0, 128], sizes = [512, 64], strides = [1, 1]} : vector<512x384xf32> to vector<512x64xf32>
      %get3A_57 = arith.constant 2 : index
      %get3A_58 = arith.constant 0 : index
      %get3A_59 = vector.load %arg3[%get3A_57, %get3A_58] : memref<6x64xf32, #tpu.memory_space<vmem>>, vector<1x64xf32>
      %get3A_60 = vector.shape_cast %get3A_59 : vector<1x64xf32> to vector<64xf32>
      %broadcast_in_dim3A_61 = vector.shape_cast %get3A_60 : vector<64xf32> to vector<1x64xf32>
      %mul3A_62 = vector.broadcast %broadcast_in_dim3A_61 : vector<1x64xf32> to vector<512x64xf32>
      %mul3A_63 = arith.mulf %slice3A_56, %mul3A_62 : vector<512x64xf32>
      %reduce_sum3A_64 = arith.constant dense<0.000000e+00> : vector<512xf32>
      %reduce_sum3A_65 = vector.multi_reduction <add>, %mul3A_63, %reduce_sum3A_64 [1] : vector<512x64xf32> to vector<512xf32>
      %broadcast_in_dim3A_66 = vector.shape_cast %reduce_sum3A_65 : vector<512xf32> to vector<512x1xf32>
      %get3A_67 = arith.constant 2 : index
      %get3A_68 = arith.constant 0 : index
      %get3A_69 = vector.load %arg4[%get3A_67, %get3A_68] : memref<6x64xf32, #tpu.memory_space<vmem>>, vector<1x64xf32>
      %get3A_70 = vector.shape_cast %get3A_69 : vector<1x64xf32> to vector<64xf32>
      %broadcast_in_dim3A_71 = vector.shape_cast %get3A_70 : vector<64xf32> to vector<1x64xf32>
      %mul3A_72 = vector.broadcast %broadcast_in_dim3A_71 : vector<1x64xf32> to vector<512x64xf32>
      %mul3A_73 = arith.mulf %slice3A_56, %mul3A_72 : vector<512x64xf32>
      %reduce_sum3A_74 = arith.constant dense<0.000000e+00> : vector<512xf32>
      %reduce_sum3A_75 = vector.multi_reduction <add>, %mul3A_73, %reduce_sum3A_74 [1] : vector<512x64xf32> to vector<512xf32>
      %broadcast_in_dim3A_76 = vector.shape_cast %reduce_sum3A_75 : vector<512xf32> to vector<512x1xf32>
      %slice3A_77 = vector.extract_strided_slice %dot_general3A_17 {offsets = [0, 192], sizes = [512, 64], strides = [1, 1]} : vector<512x384xf32> to vector<512x64xf32>
      %get3A_78 = arith.constant 3 : index
      %get3A_79 = arith.constant 0 : index
      %get3A_80 = vector.load %arg3[%get3A_78, %get3A_79] : memref<6x64xf32, #tpu.memory_space<vmem>>, vector<1x64xf32>
      %get3A_81 = vector.shape_cast %get3A_80 : vector<1x64xf32> to vector<64xf32>
      %broadcast_in_dim3A_82 = vector.shape_cast %get3A_81 : vector<64xf32> to vector<1x64xf32>
      %mul3A_83 = vector.broadcast %broadcast_in_dim3A_82 : vector<1x64xf32> to vector<512x64xf32>
      %mul3A_84 = arith.mulf %slice3A_77, %mul3A_83 : vector<512x64xf32>
      %reduce_sum3A_85 = arith.constant dense<0.000000e+00> : vector<512xf32>
      %reduce_sum3A_86 = vector.multi_reduction <add>, %mul3A_84, %reduce_sum3A_85 [1] : vector<512x64xf32> to vector<512xf32>
      %broadcast_in_dim3A_87 = vector.shape_cast %reduce_sum3A_86 : vector<512xf32> to vector<512x1xf32>
      %get3A_88 = arith.constant 3 : index
      %get3A_89 = arith.constant 0 : index
      %get3A_90 = vector.load %arg4[%get3A_88, %get3A_89] : memref<6x64xf32, #tpu.memory_space<vmem>>, vector<1x64xf32>
      %get3A_91 = vector.shape_cast %get3A_90 : vector<1x64xf32> to vector<64xf32>
      %broadcast_in_dim3A_92 = vector.shape_cast %get3A_91 : vector<64xf32> to vector<1x64xf32>
      %mul3A_93 = vector.broadcast %broadcast_in_dim3A_92 : vector<1x64xf32> to vector<512x64xf32>
      %mul3A_94 = arith.mulf %slice3A_77, %mul3A_93 : vector<512x64xf32>
      %reduce_sum3A_95 = arith.constant dense<0.000000e+00> : vector<512xf32>
      %reduce_sum3A_96 = vector.multi_reduction <add>, %mul3A_94, %reduce_sum3A_95 [1] : vector<512x64xf32> to vector<512xf32>
      %broadcast_in_dim3A_97 = vector.shape_cast %reduce_sum3A_96 : vector<512xf32> to vector<512x1xf32>
      %slice3A_98 = vector.extract_strided_slice %dot_general3A_17 {offsets = [0, 256], sizes = [512, 64], strides = [1, 1]} : vector<512x384xf32> to vector<512x64xf32>
      %get3A_99 = arith.constant 4 : index
      %get3A_100 = arith.constant 0 : index
      %get3A_101 = vector.load %arg3[%get3A_99, %get3A_100] : memref<6x64xf32, #tpu.memory_space<vmem>>, vector<1x64xf32>
      %get3A_102 = vector.shape_cast %get3A_101 : vector<1x64xf32> to vector<64xf32>
      %broadcast_in_dim3A_103 = vector.shape_cast %get3A_102 : vector<64xf32> to vector<1x64xf32>
      %mul3A_104 = vector.broadcast %broadcast_in_dim3A_103 : vector<1x64xf32> to vector<512x64xf32>
      %mul3A_105 = arith.mulf %slice3A_98, %mul3A_104 : vector<512x64xf32>
      %reduce_sum3A_106 = arith.constant dense<0.000000e+00> : vector<512xf32>
      %reduce_sum3A_107 = vector.multi_reduction <add>, %mul3A_105, %reduce_sum3A_106 [1] : vector<512x64xf32> to vector<512xf32>
      %broadcast_in_dim3A_108 = vector.shape_cast %reduce_sum3A_107 : vector<512xf32> to vector<512x1xf32>
      %get3A_109 = arith.constant 4 : index
      %get3A_110 = arith.constant 0 : index
      %get3A_111 = vector.load %arg4[%get3A_109, %get3A_110] : memref<6x64xf32, #tpu.memory_space<vmem>>, vector<1x64xf32>
      %get3A_112 = vector.shape_cast %get3A_111 : vector<1x64xf32> to vector<64xf32>
      %broadcast_in_dim3A_113 = vector.shape_cast %get3A_112 : vector<64xf32> to vector<1x64xf32>
      %mul3A_114 = vector.broadcast %broadcast_in_dim3A_113 : vector<1x64xf32> to vector<512x64xf32>
      %mul3A_115 = arith.mulf %slice3A_98, %mul3A_114 : vector<512x64xf32>
      %reduce_sum3A_116 = arith.constant dense<0.000000e+00> : vector<512xf32>
      %reduce_sum3A_117 = vector.multi_reduction <add>, %mul3A_115, %reduce_sum3A_116 [1] : vector<512x64xf32> to vector<512xf32>
      %broadcast_in_dim3A_118 = vector.shape_cast %reduce_sum3A_117 : vector<512xf32> to vector<512x1xf32>
      %slice3A_119 = vector.extract_strided_slice %dot_general3A_17 {offsets = [0, 320], sizes = [512, 64], strides = [1, 1]} : vector<512x384xf32> to vector<512x64xf32>
      %get3A_120 = arith.constant 5 : index
      %get3A_121 = arith.constant 0 : index
      %get3A_122 = vector.load %arg3[%get3A_120, %get3A_121] : memref<6x64xf32, #tpu.memory_space<vmem>>, vector<1x64xf32>
      %get3A_123 = vector.shape_cast %get3A_122 : vector<1x64xf32> to vector<64xf32>
      %broadcast_in_dim3A_124 = vector.shape_cast %get3A_123 : vector<64xf32> to vector<1x64xf32>
      %mul3A_125 = vector.broadcast %broadcast_in_dim3A_124 : vector<1x64xf32> to vector<512x64xf32>
      %mul3A_126 = arith.mulf %slice3A_119, %mul3A_125 : vector<512x64xf32>
      %reduce_sum3A_127 = arith.constant dense<0.000000e+00> : vector<512xf32>
      %reduce_sum3A_128 = vector.multi_reduction <add>, %mul3A_126, %reduce_sum3A_127 [1] : vector<512x64xf32> to vector<512xf32>
      %broadcast_in_dim3A_129 = vector.shape_cast %reduce_sum3A_128 : vector<512xf32> to vector<512x1xf32>
      %get3A_130 = arith.constant 5 : index
      %get3A_131 = arith.constant 0 : index
      %get3A_132 = vector.load %arg4[%get3A_130, %get3A_131] : memref<6x64xf32, #tpu.memory_space<vmem>>, vector<1x64xf32>
      %get3A_133 = vector.shape_cast %get3A_132 : vector<1x64xf32> to vector<64xf32>
      %broadcast_in_dim3A_134 = vector.shape_cast %get3A_133 : vector<64xf32> to vector<1x64xf32>
      %mul3A_135 = vector.broadcast %broadcast_in_dim3A_134 : vector<1x64xf32> to vector<512x64xf32>
      %mul3A_136 = arith.mulf %slice3A_119, %mul3A_135 : vector<512x64xf32>
      %reduce_sum3A_137 = arith.constant dense<0.000000e+00> : vector<512xf32>
      %reduce_sum3A_138 = vector.multi_reduction <add>, %mul3A_136, %reduce_sum3A_137 [1] : vector<512x64xf32> to vector<512xf32>
      %broadcast_in_dim3A_139 = vector.shape_cast %reduce_sum3A_138 : vector<512xf32> to vector<512x1xf32>
      %concatenate3A = tpu.concatenate %broadcast_in_dim3A_24, %broadcast_in_dim3A_45, %broadcast_in_dim3A_66, %broadcast_in_dim3A_87, %broadcast_in_dim3A_108, %broadcast_in_dim3A_129 in 1 : vector<512x1xf32>, vector<512x1xf32>, vector<512x1xf32>, vector<512x1xf32>, vector<512x1xf32>, vector<512x1xf32> -> vector<512x6xf32>
      %concatenate3A_140 = tpu.concatenate %broadcast_in_dim3A_34, %broadcast_in_dim3A_55, %broadcast_in_dim3A_76, %broadcast_in_dim3A_97, %broadcast_in_dim3A_118, %broadcast_in_dim3A_139 in 1 : vector<512x1xf32>, vector<512x1xf32>, vector<512x1xf32>, vector<512x1xf32>, vector<512x1xf32>, vector<512x1xf32> -> vector<512x6xf32>
      %mul3A_141 = arith.constant 512 : i32
      %mul3A_142 = arith.muli %arg0, %mul3A_141 : i32
      %swap3A = arith.index_cast %mul3A_142 : i32 to index
      %swap3A_143 = arith.constant 0 : index
      %swap3A_144 = vector.load %arg8[%swap3A, %swap3A_143] : memref<1024x384xf32, #tpu.memory_space<vmem>>, vector<512x384xf32>
      tpu.vector_store %arg8[%swap3A, %swap3A_143], %dot_general3A_17 {strides = array<i32>} : memref<1024x384xf32, #tpu.memory_space<vmem>>, vector<512x384xf32>,
      %swap3A_145 = arith.index_cast %mul3A_142 : i32 to index
      %swap3A_146 = arith.constant 0 : index
      %swap3A_147 = vector.load %arg9[%swap3A_145, %swap3A_146] : memref<1024x6xf32, #tpu.memory_space<vmem>>, vector<512x6xf32>
      tpu.vector_store %arg9[%swap3A_145, %swap3A_146], %concatenate3A {strides = array<i32>} : memref<1024x6xf32, #tpu.memory_space<vmem>>, vector<512x6xf32>,
      %swap3A_148 = arith.index_cast %mul3A_142 : i32 to index
      %swap3A_149 = arith.constant 0 : index
      %swap3A_150 = vector.load %arg10[%swap3A_148, %swap3A_149] : memref<1024x6xf32, #tpu.memory_space<vmem>>, vector<512x6xf32>
      tpu.vector_store %arg10[%swap3A_148, %swap3A_149], %concatenate3A_140 {strides = array<i32>} : memref<1024x6xf32, #tpu.memory_space<vmem>>, vector<512x6xf32>,
    } else {
    }
    %eq3A = arith.constant 2 : i32
    %eq3A_2 = arith.cmpi eq, %arg0, %eq3A : i32
    %convert_element_type3A_3 = arith.extui %eq3A_2 : i1 to i32
    %cond3A_4 = arith.constant 0 : i32
    %cond3A_5 = arith.cmpi ne, %convert_element_type3A_3, %cond3A_4 : i32
    scf.if %cond3A_5 {
      %get3A = arith.constant 0 : index
      %get3A_12 = arith.constant 0 : index
      %get3A_13 = vector.load %arg9[%get3A, %get3A_12] : memref<1024x6xf32, #tpu.memory_space<vmem>>, vector<1024x6xf32>
      %transpose3A = tpu.transpose %get3A_13, [1, 0] : vector<1024x6xf32> -> vector<6x1024xf32>
      %swap3A = arith.constant 0 : index
      %swap3A_14 = arith.constant 0 : index
      %swap3A_15 = vector.load %arg11[%swap3A, %swap3A_14] : memref<6x1024xf32, #tpu.memory_space<vmem>>, vector<6x1024xf32>
      tpu.vector_store %arg11[%swap3A, %swap3A_14], %transpose3A {strides = array<i32>} : memref<6x1024xf32, #tpu.memory_space<vmem>>, vector<6x1024xf32>,
    } else {
    }
    %ge3A = arith.constant 2 : i32
    %ge3A_6 = arith.cmpi sge, %arg0, %ge3A : i32
    %lt3A_7 = arith.constant 4 : i32
    %lt3A_8 = arith.cmpi slt, %arg0, %lt3A_7 : i32
    %and3A = arith.andi %ge3A_6, %lt3A_8 : i1
    %convert_element_type3A_9 = arith.extui %and3A : i1 to i32
    %cond3A_10 = arith.constant 0 : i32
    %cond3A_11 = arith.cmpi ne, %convert_element_type3A_9, %cond3A_10 : i32
    scf.if %cond3A_11 {
      %sub3A = arith.constant 2 : i32
      %sub3A_12 = arith.subi %arg0, %sub3A : i32
      %mul3A = arith.constant 512 : i32
      %mul3A_13 = arith.muli %sub3A_12, %mul3A : i32
      %get3A = arith.constant 0 : index
      %get3A_14 = arith.constant 0 : index
      %get3A_15 = vector.load %arg5[%get3A, %get3A_14] : memref<512x1024xf32, #tpu.memory_space<vmem>>, vector<512x1024xf32>
      %get3A_16 = arith.index_cast %mul3A_13 : i32 to index
      %get3A_17 = arith.constant 0 : index
      %get3A_18 = vector.load %arg10[%get3A_16, %get3A_17] : memref<1024x6xf32, #tpu.memory_space<vmem>>, vector<512x6xf32>
      %get3A_19 = arith.constant 0 : index
      %get3A_20 = arith.constant 0 : index
      %get3A_21 = vector.load %arg11[%get3A_19, %get3A_20] : memref<6x1024xf32, #tpu.memory_space<vmem>>, vector<1x1024xf32>
      %get3A_22 = vector.shape_cast %get3A_21 : vector<1x1024xf32> to vector<1024xf32>
      %slice3A = vector.extract_strided_slice %get3A_18 {offsets = [0, 0], sizes = [512, 1], strides = [1, 1]} : vector<512x6xf32> to vector<512x1xf32>
      %broadcast_in_dim3A = vector.shape_cast %get3A_22 : vector<1024xf32> to vector<1x1024xf32>
      %add3A = vector.broadcast %slice3A : vector<512x1xf32> to vector<512x1024xf32>
      %add3A_23 = vector.broadcast %broadcast_in_dim3A : vector<1x1024xf32> to vector<512x1024xf32>
      %add3A_24 = arith.addf %add3A, %add3A_23 : vector<512x1024xf32>
      %mul3A_25 = arith.constant 2.000000e-01 : f32
      %mul3A_26 = vector.broadcast %mul3A_25 : f32 to vector<512x1024xf32>
      %mul3A_27 = arith.mulf %mul3A_26, %add3A_24 : vector<512x1024xf32>
      %max3A = arith.maximumf %add3A_24, %mul3A_27 : vector<512x1024xf32>
      %reduce_max3A = arith.constant dense<0xFF800000> : vector<512xf32>
      %reduce_max3A_28 = vector.multi_reduction <maximumf>, %max3A, %reduce_max3A [1] : vector<512x1024xf32> to vector<512xf32>
      %broadcast_in_dim3A_29 = vector.shape_cast %reduce_max3A_28 : vector<512xf32> to vector<512x1xf32>
      %sub3A_30 = vector.broadcast %broadcast_in_dim3A_29 : vector<512x1xf32> to vector<512x1024xf32>
      %sub3A_31 = arith.subf %max3A, %sub3A_30 : vector<512x1024xf32>
      %exp3A = math.exp %sub3A_31 : vector<512x1024xf32>
      %mul3A_32 = arith.mulf %get3A_15, %exp3A : vector<512x1024xf32>
      %reduce_sum3A = arith.constant dense<0.000000e+00> : vector<512xf32>
      %reduce_sum3A_33 = vector.multi_reduction <add>, %mul3A_32, %reduce_sum3A [1] : vector<512x1024xf32> to vector<512xf32>
      %broadcast_in_dim3A_34 = vector.shape_cast %reduce_sum3A_33 : vector<512xf32> to vector<512x1xf32>
      %get3A_35 = arith.constant 0 : index
      %get3A_36 = arith.constant 0 : index
      %get3A_37 = vector.load %arg8[%get3A_35, %get3A_36] : memref<1024x384xf32, #tpu.memory_space<vmem>>, vector<1024x64xf32>
      %dot_general3A = arith.constant dense<0.000000e+00> : vector<512x64xf32>
      %dot_general3A_38 = tpu.matmul %mul3A_32, %get3A_37, %dot_general3A {dimension_numbers = #tpu.dot_dimension_numbers<[1], [0], [0], [1], [0, 0, 1, 1], [], []>, precision = #tpu.contract_precision<fp32>, transpose_lhs_hint = false} : vector<512x1024xf32>, vector<1024x64xf32>, vector<512x64xf32> -> vector<512x64xf32>
      %add3A_39 = arith.constant 9.99999996E-13 : f32
      %add3A_40 = vector.broadcast %add3A_39 : f32 to vector<512x1xf32>
      %add3A_41 = arith.addf %broadcast_in_dim3A_34, %add3A_40 : vector<512x1xf32>
      %div3A = arith.constant 1.000000e+00 : f32
      %div3A_42 = vector.broadcast %div3A : f32 to vector<512x1xf32>
      %div3A_43 = arith.divf %div3A_42, %add3A_41 : vector<512x1xf32>
      %mul3A_44 = vector.broadcast %div3A_43 : vector<512x1xf32> to vector<512x64xf32>
      %mul3A_45 = arith.mulf %dot_general3A_38, %mul3A_44 : vector<512x64xf32>
      %get3A_46 = arith.constant 1 : index
      %get3A_47 = arith.constant 0 : index
      %get3A_48 = vector.load %arg11[%get3A_46, %get3A_47] : memref<6x1024xf32, #tpu.memory_space<vmem>>, vector<1x1024xf32>
      %get3A_49 = vector.shape_cast %get3A_48 : vector<1x1024xf32> to vector<1024xf32>
      %slice3A_50 = vector.extract_strided_slice %get3A_18 {offsets = [0, 1], sizes = [512, 1], strides = [1, 1]} : vector<512x6xf32> to vector<512x1xf32>
      %broadcast_in_dim3A_51 = vector.shape_cast %get3A_49 : vector<1024xf32> to vector<1x1024xf32>
      %add3A_52 = vector.broadcast %slice3A_50 : vector<512x1xf32> to vector<512x1024xf32>
      %add3A_53 = vector.broadcast %broadcast_in_dim3A_51 : vector<1x1024xf32> to vector<512x1024xf32>
      %add3A_54 = arith.addf %add3A_52, %add3A_53 : vector<512x1024xf32>
      %mul3A_55 = arith.constant 2.000000e-01 : f32
      %mul3A_56 = vector.broadcast %mul3A_55 : f32 to vector<512x1024xf32>
      %mul3A_57 = arith.mulf %mul3A_56, %add3A_54 : vector<512x1024xf32>
      %max3A_58 = arith.maximumf %add3A_54, %mul3A_57 : vector<512x1024xf32>
      %reduce_max3A_59 = arith.constant dense<0xFF800000> : vector<512xf32>
      %reduce_max3A_60 = vector.multi_reduction <maximumf>, %max3A_58, %reduce_max3A_59 [1] : vector<512x1024xf32> to vector<512xf32>
      %broadcast_in_dim3A_61 = vector.shape_cast %reduce_max3A_60 : vector<512xf32> to vector<512x1xf32>
      %sub3A_62 = vector.broadcast %broadcast_in_dim3A_61 : vector<512x1xf32> to vector<512x1024xf32>
      %sub3A_63 = arith.subf %max3A_58, %sub3A_62 : vector<512x1024xf32>
      %exp3A_64 = math.exp %sub3A_63 : vector<512x1024xf32>
      %mul3A_65 = arith.mulf %get3A_15, %exp3A_64 : vector<512x1024xf32>
      %reduce_sum3A_66 = arith.constant dense<0.000000e+00> : vector<512xf32>
      %reduce_sum3A_67 = vector.multi_reduction <add>, %mul3A_65, %reduce_sum3A_66 [1] : vector<512x1024xf32> to vector<512xf32>
      %broadcast_in_dim3A_68 = vector.shape_cast %reduce_sum3A_67 : vector<512xf32> to vector<512x1xf32>
      %get3A_69 = arith.constant 0 : index
      %get3A_70 = arith.constant 64 : index
      %get3A_71 = vector.load %arg8[%get3A_69, %get3A_70] : memref<1024x384xf32, #tpu.memory_space<vmem>>, vector<1024x64xf32>
      %dot_general3A_72 = arith.constant dense<0.000000e+00> : vector<512x64xf32>
      %dot_general3A_73 = tpu.matmul %mul3A_65, %get3A_71, %dot_general3A_72 {dimension_numbers = #tpu.dot_dimension_numbers<[1], [0], [0], [1], [0, 0, 1, 1], [], []>, precision = #tpu.contract_precision<fp32>, transpose_lhs_hint = false} : vector<512x1024xf32>, vector<1024x64xf32>, vector<512x64xf32> -> vector<512x64xf32>
      %add3A_74 = arith.constant 9.99999996E-13 : f32
      %add3A_75 = vector.broadcast %add3A_74 : f32 to vector<512x1xf32>
      %add3A_76 = arith.addf %broadcast_in_dim3A_68, %add3A_75 : vector<512x1xf32>
      %div3A_77 = arith.constant 1.000000e+00 : f32
      %div3A_78 = vector.broadcast %div3A_77 : f32 to vector<512x1xf32>
      %div3A_79 = arith.divf %div3A_78, %add3A_76 : vector<512x1xf32>
      %mul3A_80 = vector.broadcast %div3A_79 : vector<512x1xf32> to vector<512x64xf32>
      %mul3A_81 = arith.mulf %dot_general3A_73, %mul3A_80 : vector<512x64xf32>
      %get3A_82 = arith.constant 2 : index
      %get3A_83 = arith.constant 0 : index
      %get3A_84 = vector.load %arg11[%get3A_82, %get3A_83] : memref<6x1024xf32, #tpu.memory_space<vmem>>, vector<1x1024xf32>
      %get3A_85 = vector.shape_cast %get3A_84 : vector<1x1024xf32> to vector<1024xf32>
      %slice3A_86 = vector.extract_strided_slice %get3A_18 {offsets = [0, 2], sizes = [512, 1], strides = [1, 1]} : vector<512x6xf32> to vector<512x1xf32>
      %broadcast_in_dim3A_87 = vector.shape_cast %get3A_85 : vector<1024xf32> to vector<1x1024xf32>
      %add3A_88 = vector.broadcast %slice3A_86 : vector<512x1xf32> to vector<512x1024xf32>
      %add3A_89 = vector.broadcast %broadcast_in_dim3A_87 : vector<1x1024xf32> to vector<512x1024xf32>
      %add3A_90 = arith.addf %add3A_88, %add3A_89 : vector<512x1024xf32>
      %mul3A_91 = arith.constant 2.000000e-01 : f32
      %mul3A_92 = vector.broadcast %mul3A_91 : f32 to vector<512x1024xf32>
      %mul3A_93 = arith.mulf %mul3A_92, %add3A_90 : vector<512x1024xf32>
      %max3A_94 = arith.maximumf %add3A_90, %mul3A_93 : vector<512x1024xf32>
      %reduce_max3A_95 = arith.constant dense<0xFF800000> : vector<512xf32>
      %reduce_max3A_96 = vector.multi_reduction <maximumf>, %max3A_94, %reduce_max3A_95 [1] : vector<512x1024xf32> to vector<512xf32>
      %broadcast_in_dim3A_97 = vector.shape_cast %reduce_max3A_96 : vector<512xf32> to vector<512x1xf32>
      %sub3A_98 = vector.broadcast %broadcast_in_dim3A_97 : vector<512x1xf32> to vector<512x1024xf32>
      %sub3A_99 = arith.subf %max3A_94, %sub3A_98 : vector<512x1024xf32>
      %exp3A_100 = math.exp %sub3A_99 : vector<512x1024xf32>
      %mul3A_101 = arith.mulf %get3A_15, %exp3A_100 : vector<512x1024xf32>
      %reduce_sum3A_102 = arith.constant dense<0.000000e+00> : vector<512xf32>
      %reduce_sum3A_103 = vector.multi_reduction <add>, %mul3A_101, %reduce_sum3A_102 [1] : vector<512x1024xf32> to vector<512xf32>
      %broadcast_in_dim3A_104 = vector.shape_cast %reduce_sum3A_103 : vector<512xf32> to vector<512x1xf32>
      %get3A_105 = arith.constant 0 : index
      %get3A_106 = arith.constant 128 : index
      %get3A_107 = vector.load %arg8[%get3A_105, %get3A_106] : memref<1024x384xf32, #tpu.memory_space<vmem>>, vector<1024x64xf32>
      %dot_general3A_108 = arith.constant dense<0.000000e+00> : vector<512x64xf32>
      %dot_general3A_109 = tpu.matmul %mul3A_101, %get3A_107, %dot_general3A_108 {dimension_numbers = #tpu.dot_dimension_numbers<[1], [0], [0], [1], [0, 0, 1, 1], [], []>, precision = #tpu.contract_precision<fp32>, transpose_lhs_hint = false} : vector<512x1024xf32>, vector<1024x64xf32>, vector<512x64xf32> -> vector<512x64xf32>
      %add3A_110 = arith.constant 9.99999996E-13 : f32
      %add3A_111 = vector.broadcast %add3A_110 : f32 to vector<512x1xf32>
      %add3A_112 = arith.addf %broadcast_in_dim3A_104, %add3A_111 : vector<512x1xf32>
      %div3A_113 = arith.constant 1.000000e+00 : f32
      %div3A_114 = vector.broadcast %div3A_113 : f32 to vector<512x1xf32>
      %div3A_115 = arith.divf %div3A_114, %add3A_112 : vector<512x1xf32>
      %mul3A_116 = vector.broadcast %div3A_115 : vector<512x1xf32> to vector<512x64xf32>
      %mul3A_117 = arith.mulf %dot_general3A_109, %mul3A_116 : vector<512x64xf32>
      %get3A_118 = arith.constant 3 : index
      %get3A_119 = arith.constant 0 : index
      %get3A_120 = vector.load %arg11[%get3A_118, %get3A_119] : memref<6x1024xf32, #tpu.memory_space<vmem>>, vector<1x1024xf32>
      %get3A_121 = vector.shape_cast %get3A_120 : vector<1x1024xf32> to vector<1024xf32>
      %slice3A_122 = vector.extract_strided_slice %get3A_18 {offsets = [0, 3], sizes = [512, 1], strides = [1, 1]} : vector<512x6xf32> to vector<512x1xf32>
      %broadcast_in_dim3A_123 = vector.shape_cast %get3A_121 : vector<1024xf32> to vector<1x1024xf32>
      %add3A_124 = vector.broadcast %slice3A_122 : vector<512x1xf32> to vector<512x1024xf32>
      %add3A_125 = vector.broadcast %broadcast_in_dim3A_123 : vector<1x1024xf32> to vector<512x1024xf32>
      %add3A_126 = arith.addf %add3A_124, %add3A_125 : vector<512x1024xf32>
      %mul3A_127 = arith.constant 2.000000e-01 : f32
      %mul3A_128 = vector.broadcast %mul3A_127 : f32 to vector<512x1024xf32>
      %mul3A_129 = arith.mulf %mul3A_128, %add3A_126 : vector<512x1024xf32>
      %max3A_130 = arith.maximumf %add3A_126, %mul3A_129 : vector<512x1024xf32>
      %reduce_max3A_131 = arith.constant dense<0xFF800000> : vector<512xf32>
      %reduce_max3A_132 = vector.multi_reduction <maximumf>, %max3A_130, %reduce_max3A_131 [1] : vector<512x1024xf32> to vector<512xf32>
      %broadcast_in_dim3A_133 = vector.shape_cast %reduce_max3A_132 : vector<512xf32> to vector<512x1xf32>
      %sub3A_134 = vector.broadcast %broadcast_in_dim3A_133 : vector<512x1xf32> to vector<512x1024xf32>
      %sub3A_135 = arith.subf %max3A_130, %sub3A_134 : vector<512x1024xf32>
      %exp3A_136 = math.exp %sub3A_135 : vector<512x1024xf32>
      %mul3A_137 = arith.mulf %get3A_15, %exp3A_136 : vector<512x1024xf32>
      %reduce_sum3A_138 = arith.constant dense<0.000000e+00> : vector<512xf32>
      %reduce_sum3A_139 = vector.multi_reduction <add>, %mul3A_137, %reduce_sum3A_138 [1] : vector<512x1024xf32> to vector<512xf32>
      %broadcast_in_dim3A_140 = vector.shape_cast %reduce_sum3A_139 : vector<512xf32> to vector<512x1xf32>
      %get3A_141 = arith.constant 0 : index
      %get3A_142 = arith.constant 192 : index
      %get3A_143 = vector.load %arg8[%get3A_141, %get3A_142] : memref<1024x384xf32, #tpu.memory_space<vmem>>, vector<1024x64xf32>
      %dot_general3A_144 = arith.constant dense<0.000000e+00> : vector<512x64xf32>
      %dot_general3A_145 = tpu.matmul %mul3A_137, %get3A_143, %dot_general3A_144 {dimension_numbers = #tpu.dot_dimension_numbers<[1], [0], [0], [1], [0, 0, 1, 1], [], []>, precision = #tpu.contract_precision<fp32>, transpose_lhs_hint = false} : vector<512x1024xf32>, vector<1024x64xf32>, vector<512x64xf32> -> vector<512x64xf32>
      %add3A_146 = arith.constant 9.99999996E-13 : f32
      %add3A_147 = vector.broadcast %add3A_146 : f32 to vector<512x1xf32>
      %add3A_148 = arith.addf %broadcast_in_dim3A_140, %add3A_147 : vector<512x1xf32>
      %div3A_149 = arith.constant 1.000000e+00 : f32
      %div3A_150 = vector.broadcast %div3A_149 : f32 to vector<512x1xf32>
      %div3A_151 = arith.divf %div3A_150, %add3A_148 : vector<512x1xf32>
      %mul3A_152 = vector.broadcast %div3A_151 : vector<512x1xf32> to vector<512x64xf32>
      %mul3A_153 = arith.mulf %dot_general3A_145, %mul3A_152 : vector<512x64xf32>
      %get3A_154 = arith.constant 4 : index
      %get3A_155 = arith.constant 0 : index
      %get3A_156 = vector.load %arg11[%get3A_154, %get3A_155] : memref<6x1024xf32, #tpu.memory_space<vmem>>, vector<1x1024xf32>
      %get3A_157 = vector.shape_cast %get3A_156 : vector<1x1024xf32> to vector<1024xf32>
      %slice3A_158 = vector.extract_strided_slice %get3A_18 {offsets = [0, 4], sizes = [512, 1], strides = [1, 1]} : vector<512x6xf32> to vector<512x1xf32>
      %broadcast_in_dim3A_159 = vector.shape_cast %get3A_157 : vector<1024xf32> to vector<1x1024xf32>
      %add3A_160 = vector.broadcast %slice3A_158 : vector<512x1xf32> to vector<512x1024xf32>
      %add3A_161 = vector.broadcast %broadcast_in_dim3A_159 : vector<1x1024xf32> to vector<512x1024xf32>
      %add3A_162 = arith.addf %add3A_160, %add3A_161 : vector<512x1024xf32>
      %mul3A_163 = arith.constant 2.000000e-01 : f32
      %mul3A_164 = vector.broadcast %mul3A_163 : f32 to vector<512x1024xf32>
      %mul3A_165 = arith.mulf %mul3A_164, %add3A_162 : vector<512x1024xf32>
      %max3A_166 = arith.maximumf %add3A_162, %mul3A_165 : vector<512x1024xf32>
      %reduce_max3A_167 = arith.constant dense<0xFF800000> : vector<512xf32>
      %reduce_max3A_168 = vector.multi_reduction <maximumf>, %max3A_166, %reduce_max3A_167 [1] : vector<512x1024xf32> to vector<512xf32>
      %broadcast_in_dim3A_169 = vector.shape_cast %reduce_max3A_168 : vector<512xf32> to vector<512x1xf32>
      %sub3A_170 = vector.broadcast %broadcast_in_dim3A_169 : vector<512x1xf32> to vector<512x1024xf32>
      %sub3A_171 = arith.subf %max3A_166, %sub3A_170 : vector<512x1024xf32>
      %exp3A_172 = math.exp %sub3A_171 : vector<512x1024xf32>
      %mul3A_173 = arith.mulf %get3A_15, %exp3A_172 : vector<512x1024xf32>
      %reduce_sum3A_174 = arith.constant dense<0.000000e+00> : vector<512xf32>
      %reduce_sum3A_175 = vector.multi_reduction <add>, %mul3A_173, %reduce_sum3A_174 [1] : vector<512x1024xf32> to vector<512xf32>
      %broadcast_in_dim3A_176 = vector.shape_cast %reduce_sum3A_175 : vector<512xf32> to vector<512x1xf32>
      %get3A_177 = arith.constant 0 : index
      %get3A_178 = arith.constant 256 : index
      %get3A_179 = vector.load %arg8[%get3A_177, %get3A_178] : memref<1024x384xf32, #tpu.memory_space<vmem>>, vector<1024x64xf32>
      %dot_general3A_180 = arith.constant dense<0.000000e+00> : vector<512x64xf32>
      %dot_general3A_181 = tpu.matmul %mul3A_173, %get3A_179, %dot_general3A_180 {dimension_numbers = #tpu.dot_dimension_numbers<[1], [0], [0], [1], [0, 0, 1, 1], [], []>, precision = #tpu.contract_precision<fp32>, transpose_lhs_hint = false} : vector<512x1024xf32>, vector<1024x64xf32>, vector<512x64xf32> -> vector<512x64xf32>
      %add3A_182 = arith.constant 9.99999996E-13 : f32
      %add3A_183 = vector.broadcast %add3A_182 : f32 to vector<512x1xf32>
      %add3A_184 = arith.addf %broadcast_in_dim3A_176, %add3A_183 : vector<512x1xf32>
      %div3A_185 = arith.constant 1.000000e+00 : f32
      %div3A_186 = vector.broadcast %div3A_185 : f32 to vector<512x1xf32>
      %div3A_187 = arith.divf %div3A_186, %add3A_184 : vector<512x1xf32>
      %mul3A_188 = vector.broadcast %div3A_187 : vector<512x1xf32> to vector<512x64xf32>
      %mul3A_189 = arith.mulf %dot_general3A_181, %mul3A_188 : vector<512x64xf32>
      %get3A_190 = arith.constant 5 : index
      %get3A_191 = arith.constant 0 : index
      %get3A_192 = vector.load %arg11[%get3A_190, %get3A_191] : memref<6x1024xf32, #tpu.memory_space<vmem>>, vector<1x1024xf32>
      %get3A_193 = vector.shape_cast %get3A_192 : vector<1x1024xf32> to vector<1024xf32>
      %slice3A_194 = vector.extract_strided_slice %get3A_18 {offsets = [0, 5], sizes = [512, 1], strides = [1, 1]} : vector<512x6xf32> to vector<512x1xf32>
      %broadcast_in_dim3A_195 = vector.shape_cast %get3A_193 : vector<1024xf32> to vector<1x1024xf32>
      %add3A_196 = vector.broadcast %slice3A_194 : vector<512x1xf32> to vector<512x1024xf32>
      %add3A_197 = vector.broadcast %broadcast_in_dim3A_195 : vector<1x1024xf32> to vector<512x1024xf32>
      %add3A_198 = arith.addf %add3A_196, %add3A_197 : vector<512x1024xf32>
      %mul3A_199 = arith.constant 2.000000e-01 : f32
      %mul3A_200 = vector.broadcast %mul3A_199 : f32 to vector<512x1024xf32>
      %mul3A_201 = arith.mulf %mul3A_200, %add3A_198 : vector<512x1024xf32>
      %max3A_202 = arith.maximumf %add3A_198, %mul3A_201 : vector<512x1024xf32>
      %reduce_max3A_203 = arith.constant dense<0xFF800000> : vector<512xf32>
      %reduce_max3A_204 = vector.multi_reduction <maximumf>, %max3A_202, %reduce_max3A_203 [1] : vector<512x1024xf32> to vector<512xf32>
      %broadcast_in_dim3A_205 = vector.shape_cast %reduce_max3A_204 : vector<512xf32> to vector<512x1xf32>
      %sub3A_206 = vector.broadcast %broadcast_in_dim3A_205 : vector<512x1xf32> to vector<512x1024xf32>
      %sub3A_207 = arith.subf %max3A_202, %sub3A_206 : vector<512x1024xf32>
      %exp3A_208 = math.exp %sub3A_207 : vector<512x1024xf32>
      %mul3A_209 = arith.mulf %get3A_15, %exp3A_208 : vector<512x1024xf32>
      %reduce_sum3A_210 = arith.constant dense<0.000000e+00> : vector<512xf32>
      %reduce_sum3A_211 = vector.multi_reduction <add>, %mul3A_209, %reduce_sum3A_210 [1] : vector<512x1024xf32> to vector<512xf32>
      %broadcast_in_dim3A_212 = vector.shape_cast %reduce_sum3A_211 : vector<512xf32> to vector<512x1xf32>
      %get3A_213 = arith.constant 0 : index
      %get3A_214 = arith.constant 320 : index
      %get3A_215 = vector.load %arg8[%get3A_213, %get3A_214] : memref<1024x384xf32, #tpu.memory_space<vmem>>, vector<1024x64xf32>
      %dot_general3A_216 = arith.constant dense<0.000000e+00> : vector<512x64xf32>
      %dot_general3A_217 = tpu.matmul %mul3A_209, %get3A_215, %dot_general3A_216 {dimension_numbers = #tpu.dot_dimension_numbers<[1], [0], [0], [1], [0, 0, 1, 1], [], []>, precision = #tpu.contract_precision<fp32>, transpose_lhs_hint = false} : vector<512x1024xf32>, vector<1024x64xf32>, vector<512x64xf32> -> vector<512x64xf32>
      %add3A_218 = arith.constant 9.99999996E-13 : f32
      %add3A_219 = vector.broadcast %add3A_218 : f32 to vector<512x1xf32>
      %add3A_220 = arith.addf %broadcast_in_dim3A_212, %add3A_219 : vector<512x1xf32>
      %div3A_221 = arith.constant 1.000000e+00 : f32
      %div3A_222 = vector.broadcast %div3A_221 : f32 to vector<512x1xf32>
      %div3A_223 = arith.divf %div3A_222, %add3A_220 : vector<512x1xf32>
      %mul3A_224 = vector.broadcast %div3A_223 : vector<512x1xf32> to vector<512x64xf32>
      %mul3A_225 = arith.mulf %dot_general3A_217, %mul3A_224 : vector<512x64xf32>
      %concatenate3A = tpu.concatenate %mul3A_45, %mul3A_81, %mul3A_117, %mul3A_153, %mul3A_189, %mul3A_225 in 1 : vector<512x64xf32>, vector<512x64xf32>, vector<512x64xf32>, vector<512x64xf32>, vector<512x64xf32>, vector<512x64xf32> -> vector<512x384xf32>
      %get3A_226 = arith.constant 0 : index
      %get3A_227 = vector.load %arg6[%get3A_226] : memref<384xf32, #tpu.memory_space<vmem>>, vector<384xf32>
      %broadcast_in_dim3A_228 = vector.shape_cast %get3A_227 : vector<384xf32> to vector<1x384xf32>
      %add3A_229 = vector.broadcast %broadcast_in_dim3A_228 : vector<1x384xf32> to vector<512x384xf32>
      %add3A_230 = arith.addf %concatenate3A, %add3A_229 : vector<512x384xf32>
      %gt3A = arith.constant 0.000000e+00 : f32
      %gt3A_231 = vector.broadcast %gt3A : f32 to vector<512x384xf32>
      %gt3A_232 = arith.cmpf ogt, %add3A_230, %gt3A_231 : vector<512x384xf32>
      %min3A = arith.constant 0.000000e+00 : f32
      %min3A_233 = vector.broadcast %min3A : f32 to vector<512x384xf32>
      %min3A_234 = arith.minimumf %add3A_230, %min3A_233 : vector<512x384xf32>
      %exp3A_235 = math.exp %min3A_234 : vector<512x384xf32>
      %sub3A_236 = arith.constant 1.000000e+00 : f32
      %sub3A_237 = vector.broadcast %sub3A_236 : f32 to vector<512x384xf32>
      %sub3A_238 = arith.subf %exp3A_235, %sub3A_237 : vector<512x384xf32>
      %select_n3A = arith.select %gt3A_232, %add3A_230, %sub3A_238 : vector<512x384xi1>, vector<512x384xf32>
      %swap3A = arith.constant 0 : index
      %swap3A_239 = arith.constant 0 : index
      %swap3A_240 = vector.load %arg7[%swap3A, %swap3A_239] : memref<512x384xf32, #tpu.memory_space<vmem>>, vector<512x384xf32>
      tpu.vector_store %arg7[%swap3A, %swap3A_239], %select_n3A {strides = array<i32>} : memref<512x384xf32, #tpu.memory_space<vmem>>, vector<512x384xf32>,
    } else {
    }
    return
  }
  func.func @transform_0(%arg0: i32) -> (i32, i32) {
    %min3A = arith.constant 1 : i32
    %min3A_0 = arith.minsi %arg0, %min3A : i32
    %c0_i32 = arith.constant 0 : i32
    %c0_i32_1 = arith.constant 0 : i32
    return %min3A_0, %c0_i32 : i32, i32
  }
  func.func @transform_1(%arg0: i32) -> (i32, i32) {
    %c0_i32 = arith.constant 0 : i32
    %c0_i32_0 = arith.constant 0 : i32
    %c0_i32_1 = arith.constant 0 : i32
    return %c0_i32, %c0_i32_0 : i32, i32
  }
  func.func @transform_2(%arg0: i32) -> (i32, i32) {
    %c0_i32 = arith.constant 0 : i32
    %c0_i32_0 = arith.constant 0 : i32
    %c0_i32_1 = arith.constant 0 : i32
    return %c0_i32, %c0_i32_0 : i32, i32
  }
  func.func @transform_3(%arg0: i32) -> (i32, i32) {
    %c0_i32 = arith.constant 0 : i32
    %c0_i32_0 = arith.constant 0 : i32
    %c0_i32_1 = arith.constant 0 : i32
    return %c0_i32, %c0_i32_0 : i32, i32
  }
  func.func @transform_4(%arg0: i32) -> (i32, i32) {
    %sub3A = arith.constant 2 : i32
    %sub3A_0 = arith.subi %arg0, %sub3A : i32
    %jit3A = arith.constant 0 : i32
    %jit3A_1 = arith.constant 1 : i32
    %max3A = arith.maxsi %jit3A, %sub3A_0 : i32
    %min3A = arith.minsi %jit3A_1, %max3A : i32
    %c0_i32 = arith.constant 0 : i32
    %c0_i32_2 = arith.constant 0 : i32
    return %min3A, %c0_i32 : i32, i32
  }
  func.func @transform_5(%arg0: i32) -> i32 {
    %c0_i32 = arith.constant 0 : i32
    %c0_i32_0 = arith.constant 0 : i32
    return %c0_i32 : i32
  }
  func.func @transform_6(%arg0: i32) -> (i32, i32) {
    %sub3A = arith.constant 2 : i32
    %sub3A_0 = arith.subi %arg0, %sub3A : i32
    %jit3A = arith.constant 0 : i32
    %jit3A_1 = arith.constant 1 : i32
    %max3A = arith.maxsi %jit3A, %sub3A_0 : i32
    %min3A = arith.minsi %jit3A_1, %max3A : i32
    %c0_i32 = arith.constant 0 : i32
    %c0_i32_2 = arith.constant 0 : i32
    return %min3A, %c0_i32 : i32, i32
  }
}

module attributes {stable_mosaic.version = 14 : i64} {
  func.func @_layer_body(%arg0: i32, %arg1: memref<512x384xf32, #tpu.memory_space<vmem>>, %arg2: memref<384x384xf32, #tpu.memory_space<vmem>>, %arg3: memref<6x64xf32, #tpu.memory_space<vmem>>, %arg4: memref<6x64xf32, #tpu.memory_space<vmem>>, %arg5: memref<512x1024xf32, #tpu.memory_space<vmem>>, %arg6: memref<384xf32, #tpu.memory_space<vmem>>, %arg7: memref<512x1024xf32, #tpu.memory_space<vmem>>, %arg8: memref<1x64xf32, #tpu.memory_space<vmem>>, %arg9: memref<1x64xf32, #tpu.memory_space<vmem>>, %arg10: memref<1x2xf32, #tpu.memory_space<vmem>>, %arg11: memref<512x1024xf32, #tpu.memory_space<vmem>>, %arg12: memref<1024x384xf32, #tpu.memory_space<vmem>>, %arg13: memref<1024x6xf32, #tpu.memory_space<vmem>>, %arg14: memref<1024x6xf32, #tpu.memory_space<vmem>>, %arg15: memref<6x1024xf32, #tpu.memory_space<vmem>>, %arg16: memref<1024x64xf32, #tpu.memory_space<vmem>>, %arg17: memref<64x1024xf32, #tpu.memory_space<vmem>>) attributes {dimension_semantics = [#tpu.dimension_semantics<arbitrary>], iteration_bounds = array<i64: 6>, scalar_prefetch = 0 : i64, scratch_operands = 6 : i64, tpu.core_type = #tpu.core_type<tc>, window_params = [{transform_indices = @transform_0, window_bounds = array<i64: 512, 384>}, {pipeline_mode = #tpu.pipeline_mode<synchronous>, transform_indices = @transform_1, window_bounds = array<i64: 384, 384>}, {pipeline_mode = #tpu.pipeline_mode<synchronous>, transform_indices = @transform_2, window_bounds = array<i64: 6, 64>}, {pipeline_mode = #tpu.pipeline_mode<synchronous>, transform_indices = @transform_3, window_bounds = array<i64: 6, 64>}, {transform_indices = @transform_4, window_bounds = array<i64: 512, 1024>}, {pipeline_mode = #tpu.pipeline_mode<synchronous>, transform_indices = @transform_5, window_bounds = array<i64: 384>}, {transform_indices = @transform_6, window_bounds = array<i64: 512, 1024>}, {pipeline_mode = #tpu.pipeline_mode<synchronous>, transform_indices = @transform_7, window_bounds = array<i64: 1, 64>}, {pipeline_mode = #tpu.pipeline_mode<synchronous>, transform_indices = @transform_8, window_bounds = array<i64: 1, 64>}, {pipeline_mode = #tpu.pipeline_mode<synchronous>, transform_indices = @transform_9, window_bounds = array<i64: 1, 2>}, {transform_indices = @transform_10, window_bounds = array<i64: 512, 1024>}]} {
    %lt3A = arith.constant 2 : i32
    %lt3A_0 = arith.cmpi slt, %arg0, %lt3A : i32
    %convert_element_type3A = arith.extui %lt3A_0 : i1 to i32
    %cond3A = arith.constant 0 : i32
    %cond3A_1 = arith.cmpi ne, %convert_element_type3A, %cond3A : i32
    scf.if %cond3A_1 {
      %get3A = arith.constant 0 : index
      %get3A_22 = arith.constant 0 : index
      %get3A_23 = vector.load %arg1[%get3A, %get3A_22] : memref<512x384xf32, #tpu.memory_space<vmem>>, vector<512x384xf32>
      %get3A_24 = arith.constant 0 : index
      %get3A_25 = arith.constant 0 : index
      %get3A_26 = vector.load %arg2[%get3A_24, %get3A_25] : memref<384x384xf32, #tpu.memory_space<vmem>>, vector<384x384xf32>
      %dot_general3A = arith.constant dense<0.000000e+00> : vector<512x384xf32>
      %dot_general3A_27 = tpu.matmul %get3A_23, %get3A_26, %dot_general3A {dimension_numbers = #tpu.dot_dimension_numbers<[1], [0], [0], [1], [0, 0, 1, 1], [], []>, transpose_lhs_hint = false} : vector<512x384xf32>, vector<384x384xf32>, vector<512x384xf32> -> vector<512x384xf32>
      %slice3A = vector.extract_strided_slice %dot_general3A_27 {offsets = [0, 0], sizes = [512, 64], strides = [1, 1]} : vector<512x384xf32> to vector<512x64xf32>
      %get3A_28 = arith.constant 0 : index
      %get3A_29 = arith.constant 0 : index
      %get3A_30 = vector.load %arg3[%get3A_28, %get3A_29] : memref<6x64xf32, #tpu.memory_space<vmem>>, vector<1x64xf32>
      %get3A_31 = vector.shape_cast %get3A_30 : vector<1x64xf32> to vector<64xf32>
      %broadcast_in_dim3A = vector.shape_cast %get3A_31 : vector<64xf32> to vector<1x64xf32>
      %mul3A = vector.broadcast %broadcast_in_dim3A : vector<1x64xf32> to vector<512x64xf32>
      %mul3A_32 = arith.mulf %slice3A, %mul3A : vector<512x64xf32>
      %reduce_sum3A = arith.constant dense<0.000000e+00> : vector<512xf32>
      %reduce_sum3A_33 = vector.multi_reduction <add>, %mul3A_32, %reduce_sum3A [1] : vector<512x64xf32> to vector<512xf32>
      %broadcast_in_dim3A_34 = vector.shape_cast %reduce_sum3A_33 : vector<512xf32> to vector<512x1xf32>
      %get3A_35 = arith.constant 0 : index
      %get3A_36 = arith.constant 0 : index
      %get3A_37 = vector.load %arg4[%get3A_35, %get3A_36] : memref<6x64xf32, #tpu.memory_space<vmem>>, vector<1x64xf32>
      %get3A_38 = vector.shape_cast %get3A_37 : vector<1x64xf32> to vector<64xf32>
      %broadcast_in_dim3A_39 = vector.shape_cast %get3A_38 : vector<64xf32> to vector<1x64xf32>
      %mul3A_40 = vector.broadcast %broadcast_in_dim3A_39 : vector<1x64xf32> to vector<512x64xf32>
      %mul3A_41 = arith.mulf %slice3A, %mul3A_40 : vector<512x64xf32>
      %reduce_sum3A_42 = arith.constant dense<0.000000e+00> : vector<512xf32>
      %reduce_sum3A_43 = vector.multi_reduction <add>, %mul3A_41, %reduce_sum3A_42 [1] : vector<512x64xf32> to vector<512xf32>
      %broadcast_in_dim3A_44 = vector.shape_cast %reduce_sum3A_43 : vector<512xf32> to vector<512x1xf32>
      %slice3A_45 = vector.extract_strided_slice %dot_general3A_27 {offsets = [0, 64], sizes = [512, 64], strides = [1, 1]} : vector<512x384xf32> to vector<512x64xf32>
      %get3A_46 = arith.constant 1 : index
      %get3A_47 = arith.constant 0 : index
      %get3A_48 = vector.load %arg3[%get3A_46, %get3A_47] : memref<6x64xf32, #tpu.memory_space<vmem>>, vector<1x64xf32>
      %get3A_49 = vector.shape_cast %get3A_48 : vector<1x64xf32> to vector<64xf32>
      %broadcast_in_dim3A_50 = vector.shape_cast %get3A_49 : vector<64xf32> to vector<1x64xf32>
      %mul3A_51 = vector.broadcast %broadcast_in_dim3A_50 : vector<1x64xf32> to vector<512x64xf32>
      %mul3A_52 = arith.mulf %slice3A_45, %mul3A_51 : vector<512x64xf32>
      %reduce_sum3A_53 = arith.constant dense<0.000000e+00> : vector<512xf32>
      %reduce_sum3A_54 = vector.multi_reduction <add>, %mul3A_52, %reduce_sum3A_53 [1] : vector<512x64xf32> to vector<512xf32>
      %broadcast_in_dim3A_55 = vector.shape_cast %reduce_sum3A_54 : vector<512xf32> to vector<512x1xf32>
      %get3A_56 = arith.constant 1 : index
      %get3A_57 = arith.constant 0 : index
      %get3A_58 = vector.load %arg4[%get3A_56, %get3A_57] : memref<6x64xf32, #tpu.memory_space<vmem>>, vector<1x64xf32>
      %get3A_59 = vector.shape_cast %get3A_58 : vector<1x64xf32> to vector<64xf32>
      %broadcast_in_dim3A_60 = vector.shape_cast %get3A_59 : vector<64xf32> to vector<1x64xf32>
      %mul3A_61 = vector.broadcast %broadcast_in_dim3A_60 : vector<1x64xf32> to vector<512x64xf32>
      %mul3A_62 = arith.mulf %slice3A_45, %mul3A_61 : vector<512x64xf32>
      %reduce_sum3A_63 = arith.constant dense<0.000000e+00> : vector<512xf32>
      %reduce_sum3A_64 = vector.multi_reduction <add>, %mul3A_62, %reduce_sum3A_63 [1] : vector<512x64xf32> to vector<512xf32>
      %broadcast_in_dim3A_65 = vector.shape_cast %reduce_sum3A_64 : vector<512xf32> to vector<512x1xf32>
      %slice3A_66 = vector.extract_strided_slice %dot_general3A_27 {offsets = [0, 128], sizes = [512, 64], strides = [1, 1]} : vector<512x384xf32> to vector<512x64xf32>
      %get3A_67 = arith.constant 2 : index
      %get3A_68 = arith.constant 0 : index
      %get3A_69 = vector.load %arg3[%get3A_67, %get3A_68] : memref<6x64xf32, #tpu.memory_space<vmem>>, vector<1x64xf32>
      %get3A_70 = vector.shape_cast %get3A_69 : vector<1x64xf32> to vector<64xf32>
      %broadcast_in_dim3A_71 = vector.shape_cast %get3A_70 : vector<64xf32> to vector<1x64xf32>
      %mul3A_72 = vector.broadcast %broadcast_in_dim3A_71 : vector<1x64xf32> to vector<512x64xf32>
      %mul3A_73 = arith.mulf %slice3A_66, %mul3A_72 : vector<512x64xf32>
      %reduce_sum3A_74 = arith.constant dense<0.000000e+00> : vector<512xf32>
      %reduce_sum3A_75 = vector.multi_reduction <add>, %mul3A_73, %reduce_sum3A_74 [1] : vector<512x64xf32> to vector<512xf32>
      %broadcast_in_dim3A_76 = vector.shape_cast %reduce_sum3A_75 : vector<512xf32> to vector<512x1xf32>
      %get3A_77 = arith.constant 2 : index
      %get3A_78 = arith.constant 0 : index
      %get3A_79 = vector.load %arg4[%get3A_77, %get3A_78] : memref<6x64xf32, #tpu.memory_space<vmem>>, vector<1x64xf32>
      %get3A_80 = vector.shape_cast %get3A_79 : vector<1x64xf32> to vector<64xf32>
      %broadcast_in_dim3A_81 = vector.shape_cast %get3A_80 : vector<64xf32> to vector<1x64xf32>
      %mul3A_82 = vector.broadcast %broadcast_in_dim3A_81 : vector<1x64xf32> to vector<512x64xf32>
      %mul3A_83 = arith.mulf %slice3A_66, %mul3A_82 : vector<512x64xf32>
      %reduce_sum3A_84 = arith.constant dense<0.000000e+00> : vector<512xf32>
      %reduce_sum3A_85 = vector.multi_reduction <add>, %mul3A_83, %reduce_sum3A_84 [1] : vector<512x64xf32> to vector<512xf32>
      %broadcast_in_dim3A_86 = vector.shape_cast %reduce_sum3A_85 : vector<512xf32> to vector<512x1xf32>
      %slice3A_87 = vector.extract_strided_slice %dot_general3A_27 {offsets = [0, 192], sizes = [512, 64], strides = [1, 1]} : vector<512x384xf32> to vector<512x64xf32>
      %get3A_88 = arith.constant 3 : index
      %get3A_89 = arith.constant 0 : index
      %get3A_90 = vector.load %arg3[%get3A_88, %get3A_89] : memref<6x64xf32, #tpu.memory_space<vmem>>, vector<1x64xf32>
      %get3A_91 = vector.shape_cast %get3A_90 : vector<1x64xf32> to vector<64xf32>
      %broadcast_in_dim3A_92 = vector.shape_cast %get3A_91 : vector<64xf32> to vector<1x64xf32>
      %mul3A_93 = vector.broadcast %broadcast_in_dim3A_92 : vector<1x64xf32> to vector<512x64xf32>
      %mul3A_94 = arith.mulf %slice3A_87, %mul3A_93 : vector<512x64xf32>
      %reduce_sum3A_95 = arith.constant dense<0.000000e+00> : vector<512xf32>
      %reduce_sum3A_96 = vector.multi_reduction <add>, %mul3A_94, %reduce_sum3A_95 [1] : vector<512x64xf32> to vector<512xf32>
      %broadcast_in_dim3A_97 = vector.shape_cast %reduce_sum3A_96 : vector<512xf32> to vector<512x1xf32>
      %get3A_98 = arith.constant 3 : index
      %get3A_99 = arith.constant 0 : index
      %get3A_100 = vector.load %arg4[%get3A_98, %get3A_99] : memref<6x64xf32, #tpu.memory_space<vmem>>, vector<1x64xf32>
      %get3A_101 = vector.shape_cast %get3A_100 : vector<1x64xf32> to vector<64xf32>
      %broadcast_in_dim3A_102 = vector.shape_cast %get3A_101 : vector<64xf32> to vector<1x64xf32>
      %mul3A_103 = vector.broadcast %broadcast_in_dim3A_102 : vector<1x64xf32> to vector<512x64xf32>
      %mul3A_104 = arith.mulf %slice3A_87, %mul3A_103 : vector<512x64xf32>
      %reduce_sum3A_105 = arith.constant dense<0.000000e+00> : vector<512xf32>
      %reduce_sum3A_106 = vector.multi_reduction <add>, %mul3A_104, %reduce_sum3A_105 [1] : vector<512x64xf32> to vector<512xf32>
      %broadcast_in_dim3A_107 = vector.shape_cast %reduce_sum3A_106 : vector<512xf32> to vector<512x1xf32>
      %slice3A_108 = vector.extract_strided_slice %dot_general3A_27 {offsets = [0, 256], sizes = [512, 64], strides = [1, 1]} : vector<512x384xf32> to vector<512x64xf32>
      %get3A_109 = arith.constant 4 : index
      %get3A_110 = arith.constant 0 : index
      %get3A_111 = vector.load %arg3[%get3A_109, %get3A_110] : memref<6x64xf32, #tpu.memory_space<vmem>>, vector<1x64xf32>
      %get3A_112 = vector.shape_cast %get3A_111 : vector<1x64xf32> to vector<64xf32>
      %broadcast_in_dim3A_113 = vector.shape_cast %get3A_112 : vector<64xf32> to vector<1x64xf32>
      %mul3A_114 = vector.broadcast %broadcast_in_dim3A_113 : vector<1x64xf32> to vector<512x64xf32>
      %mul3A_115 = arith.mulf %slice3A_108, %mul3A_114 : vector<512x64xf32>
      %reduce_sum3A_116 = arith.constant dense<0.000000e+00> : vector<512xf32>
      %reduce_sum3A_117 = vector.multi_reduction <add>, %mul3A_115, %reduce_sum3A_116 [1] : vector<512x64xf32> to vector<512xf32>
      %broadcast_in_dim3A_118 = vector.shape_cast %reduce_sum3A_117 : vector<512xf32> to vector<512x1xf32>
      %get3A_119 = arith.constant 4 : index
      %get3A_120 = arith.constant 0 : index
      %get3A_121 = vector.load %arg4[%get3A_119, %get3A_120] : memref<6x64xf32, #tpu.memory_space<vmem>>, vector<1x64xf32>
      %get3A_122 = vector.shape_cast %get3A_121 : vector<1x64xf32> to vector<64xf32>
      %broadcast_in_dim3A_123 = vector.shape_cast %get3A_122 : vector<64xf32> to vector<1x64xf32>
      %mul3A_124 = vector.broadcast %broadcast_in_dim3A_123 : vector<1x64xf32> to vector<512x64xf32>
      %mul3A_125 = arith.mulf %slice3A_108, %mul3A_124 : vector<512x64xf32>
      %reduce_sum3A_126 = arith.constant dense<0.000000e+00> : vector<512xf32>
      %reduce_sum3A_127 = vector.multi_reduction <add>, %mul3A_125, %reduce_sum3A_126 [1] : vector<512x64xf32> to vector<512xf32>
      %broadcast_in_dim3A_128 = vector.shape_cast %reduce_sum3A_127 : vector<512xf32> to vector<512x1xf32>
      %slice3A_129 = vector.extract_strided_slice %dot_general3A_27 {offsets = [0, 320], sizes = [512, 64], strides = [1, 1]} : vector<512x384xf32> to vector<512x64xf32>
      %get3A_130 = arith.constant 5 : index
      %get3A_131 = arith.constant 0 : index
      %get3A_132 = vector.load %arg3[%get3A_130, %get3A_131] : memref<6x64xf32, #tpu.memory_space<vmem>>, vector<1x64xf32>
      %get3A_133 = vector.shape_cast %get3A_132 : vector<1x64xf32> to vector<64xf32>
      %broadcast_in_dim3A_134 = vector.shape_cast %get3A_133 : vector<64xf32> to vector<1x64xf32>
      %mul3A_135 = vector.broadcast %broadcast_in_dim3A_134 : vector<1x64xf32> to vector<512x64xf32>
      %mul3A_136 = arith.mulf %slice3A_129, %mul3A_135 : vector<512x64xf32>
      %reduce_sum3A_137 = arith.constant dense<0.000000e+00> : vector<512xf32>
      %reduce_sum3A_138 = vector.multi_reduction <add>, %mul3A_136, %reduce_sum3A_137 [1] : vector<512x64xf32> to vector<512xf32>
      %broadcast_in_dim3A_139 = vector.shape_cast %reduce_sum3A_138 : vector<512xf32> to vector<512x1xf32>
      %get3A_140 = arith.constant 5 : index
      %get3A_141 = arith.constant 0 : index
      %get3A_142 = vector.load %arg4[%get3A_140, %get3A_141] : memref<6x64xf32, #tpu.memory_space<vmem>>, vector<1x64xf32>
      %get3A_143 = vector.shape_cast %get3A_142 : vector<1x64xf32> to vector<64xf32>
      %broadcast_in_dim3A_144 = vector.shape_cast %get3A_143 : vector<64xf32> to vector<1x64xf32>
      %mul3A_145 = vector.broadcast %broadcast_in_dim3A_144 : vector<1x64xf32> to vector<512x64xf32>
      %mul3A_146 = arith.mulf %slice3A_129, %mul3A_145 : vector<512x64xf32>
      %reduce_sum3A_147 = arith.constant dense<0.000000e+00> : vector<512xf32>
      %reduce_sum3A_148 = vector.multi_reduction <add>, %mul3A_146, %reduce_sum3A_147 [1] : vector<512x64xf32> to vector<512xf32>
      %broadcast_in_dim3A_149 = vector.shape_cast %reduce_sum3A_148 : vector<512xf32> to vector<512x1xf32>
      %concatenate3A = tpu.concatenate %broadcast_in_dim3A_34, %broadcast_in_dim3A_55, %broadcast_in_dim3A_76, %broadcast_in_dim3A_97, %broadcast_in_dim3A_118, %broadcast_in_dim3A_139 in 1 : vector<512x1xf32>, vector<512x1xf32>, vector<512x1xf32>, vector<512x1xf32>, vector<512x1xf32>, vector<512x1xf32> -> vector<512x6xf32>
      %concatenate3A_150 = tpu.concatenate %broadcast_in_dim3A_44, %broadcast_in_dim3A_65, %broadcast_in_dim3A_86, %broadcast_in_dim3A_107, %broadcast_in_dim3A_128, %broadcast_in_dim3A_149 in 1 : vector<512x1xf32>, vector<512x1xf32>, vector<512x1xf32>, vector<512x1xf32>, vector<512x1xf32>, vector<512x1xf32> -> vector<512x6xf32>
      %mul3A_151 = arith.constant 512 : i32
      %mul3A_152 = arith.muli %arg0, %mul3A_151 : i32
      %swap3A = arith.index_cast %mul3A_152 : i32 to index
      %swap3A_153 = arith.constant 0 : index
      %swap3A_154 = vector.load %arg12[%swap3A, %swap3A_153] : memref<1024x384xf32, #tpu.memory_space<vmem>>, vector<512x384xf32>
      tpu.vector_store %arg12[%swap3A, %swap3A_153], %dot_general3A_27 {strides = array<i32>} : memref<1024x384xf32, #tpu.memory_space<vmem>>, vector<512x384xf32>,
      %swap3A_155 = arith.index_cast %mul3A_152 : i32 to index
      %swap3A_156 = arith.constant 0 : index
      %swap3A_157 = vector.load %arg13[%swap3A_155, %swap3A_156] : memref<1024x6xf32, #tpu.memory_space<vmem>>, vector<512x6xf32>
      tpu.vector_store %arg13[%swap3A_155, %swap3A_156], %concatenate3A {strides = array<i32>} : memref<1024x6xf32, #tpu.memory_space<vmem>>, vector<512x6xf32>,
      %swap3A_158 = arith.index_cast %mul3A_152 : i32 to index
      %swap3A_159 = arith.constant 0 : index
      %swap3A_160 = vector.load %arg14[%swap3A_158, %swap3A_159] : memref<1024x6xf32, #tpu.memory_space<vmem>>, vector<512x6xf32>
      tpu.vector_store %arg14[%swap3A_158, %swap3A_159], %concatenate3A_150 {strides = array<i32>} : memref<1024x6xf32, #tpu.memory_space<vmem>>, vector<512x6xf32>,
    } else {
    }
    %eq3A = arith.constant 2 : i32
    %eq3A_2 = arith.cmpi eq, %arg0, %eq3A : i32
    %convert_element_type3A_3 = arith.extui %eq3A_2 : i1 to i32
    %cond3A_4 = arith.constant 0 : i32
    %cond3A_5 = arith.cmpi ne, %convert_element_type3A_3, %cond3A_4 : i32
    scf.if %cond3A_5 {
      %get3A = arith.constant 0 : index
      %get3A_22 = arith.constant 0 : index
      %get3A_23 = vector.load %arg13[%get3A, %get3A_22] : memref<1024x6xf32, #tpu.memory_space<vmem>>, vector<1024x6xf32>
      %transpose3A = tpu.transpose %get3A_23, [1, 0] : vector<1024x6xf32> -> vector<6x1024xf32>
      %swap3A = arith.constant 0 : index
      %swap3A_24 = arith.constant 0 : index
      %swap3A_25 = vector.load %arg15[%swap3A, %swap3A_24] : memref<6x1024xf32, #tpu.memory_space<vmem>>, vector<6x1024xf32>
      tpu.vector_store %arg15[%swap3A, %swap3A_24], %transpose3A {strides = array<i32>} : memref<6x1024xf32, #tpu.memory_space<vmem>>, vector<6x1024xf32>,
    } else {
    }
    %ge3A = arith.constant 2 : i32
    %ge3A_6 = arith.cmpi sge, %arg0, %ge3A : i32
    %lt3A_7 = arith.constant 4 : i32
    %lt3A_8 = arith.cmpi slt, %arg0, %lt3A_7 : i32
    %and3A = arith.andi %ge3A_6, %lt3A_8 : i1
    %convert_element_type3A_9 = arith.extui %and3A : i1 to i32
    %cond3A_10 = arith.constant 0 : i32
    %cond3A_11 = arith.cmpi ne, %convert_element_type3A_9, %cond3A_10 : i32
    scf.if %cond3A_11 {
      %sub3A = arith.constant 2 : i32
      %sub3A_22 = arith.subi %arg0, %sub3A : i32
      %mul3A = arith.constant 512 : i32
      %mul3A_23 = arith.muli %sub3A_22, %mul3A : i32
      %get3A = arith.constant 0 : index
      %get3A_24 = arith.constant 0 : index
      %get3A_25 = vector.load %arg5[%get3A, %get3A_24] : memref<512x1024xf32, #tpu.memory_space<vmem>>, vector<512x1024xf32>
      %get3A_26 = arith.index_cast %mul3A_23 : i32 to index
      %get3A_27 = arith.constant 0 : index
      %get3A_28 = vector.load %arg14[%get3A_26, %get3A_27] : memref<1024x6xf32, #tpu.memory_space<vmem>>, vector<512x6xf32>
      %get3A_29 = arith.constant 0 : index
      %get3A_30 = arith.constant 0 : index
      %get3A_31 = vector.load %arg15[%get3A_29, %get3A_30] : memref<6x1024xf32, #tpu.memory_space<vmem>>, vector<1x1024xf32>
      %get3A_32 = vector.shape_cast %get3A_31 : vector<1x1024xf32> to vector<1024xf32>
      %slice3A = vector.extract_strided_slice %get3A_28 {offsets = [0, 0], sizes = [512, 1], strides = [1, 1]} : vector<512x6xf32> to vector<512x1xf32>
      %broadcast_in_dim3A = vector.shape_cast %get3A_32 : vector<1024xf32> to vector<1x1024xf32>
      %add3A = vector.broadcast %slice3A : vector<512x1xf32> to vector<512x1024xf32>
      %add3A_33 = vector.broadcast %broadcast_in_dim3A : vector<1x1024xf32> to vector<512x1024xf32>
      %add3A_34 = arith.addf %add3A, %add3A_33 : vector<512x1024xf32>
      %mul3A_35 = arith.constant 2.000000e-01 : f32
      %mul3A_36 = vector.broadcast %mul3A_35 : f32 to vector<512x1024xf32>
      %mul3A_37 = arith.mulf %mul3A_36, %add3A_34 : vector<512x1024xf32>
      %max3A = arith.maximumf %add3A_34, %mul3A_37 : vector<512x1024xf32>
      %reduce_max3A = arith.constant dense<0xFF800000> : vector<512xf32>
      %reduce_max3A_38 = vector.multi_reduction <maximumf>, %max3A, %reduce_max3A [1] : vector<512x1024xf32> to vector<512xf32>
      %broadcast_in_dim3A_39 = vector.shape_cast %reduce_max3A_38 : vector<512xf32> to vector<512x1xf32>
      %sub3A_40 = vector.broadcast %broadcast_in_dim3A_39 : vector<512x1xf32> to vector<512x1024xf32>
      %sub3A_41 = arith.subf %max3A, %sub3A_40 : vector<512x1024xf32>
      %exp3A = math.exp %sub3A_41 : vector<512x1024xf32>
      %mul3A_42 = arith.mulf %get3A_25, %exp3A : vector<512x1024xf32>
      %reduce_sum3A = arith.constant dense<0.000000e+00> : vector<512xf32>
      %reduce_sum3A_43 = vector.multi_reduction <add>, %mul3A_42, %reduce_sum3A [1] : vector<512x1024xf32> to vector<512xf32>
      %broadcast_in_dim3A_44 = vector.shape_cast %reduce_sum3A_43 : vector<512xf32> to vector<512x1xf32>
      %get3A_45 = arith.constant 0 : index
      %get3A_46 = arith.constant 0 : index
      %get3A_47 = vector.load %arg12[%get3A_45, %get3A_46] : memref<1024x384xf32, #tpu.memory_space<vmem>>, vector<1024x64xf32>
      %dot_general3A = arith.constant dense<0.000000e+00> : vector<512x64xf32>
      %dot_general3A_48 = tpu.matmul %mul3A_42, %get3A_47, %dot_general3A {dimension_numbers = #tpu.dot_dimension_numbers<[1], [0], [0], [1], [0, 0, 1, 1], [], []>, precision = #tpu.contract_precision<fp32>, transpose_lhs_hint = false} : vector<512x1024xf32>, vector<1024x64xf32>, vector<512x64xf32> -> vector<512x64xf32>
      %add3A_49 = arith.constant 9.99999996E-13 : f32
      %add3A_50 = vector.broadcast %add3A_49 : f32 to vector<512x1xf32>
      %add3A_51 = arith.addf %broadcast_in_dim3A_44, %add3A_50 : vector<512x1xf32>
      %div3A = arith.constant 1.000000e+00 : f32
      %div3A_52 = vector.broadcast %div3A : f32 to vector<512x1xf32>
      %div3A_53 = arith.divf %div3A_52, %add3A_51 : vector<512x1xf32>
      %mul3A_54 = vector.broadcast %div3A_53 : vector<512x1xf32> to vector<512x64xf32>
      %mul3A_55 = arith.mulf %dot_general3A_48, %mul3A_54 : vector<512x64xf32>
      %get3A_56 = arith.constant 1 : index
      %get3A_57 = arith.constant 0 : index
      %get3A_58 = vector.load %arg15[%get3A_56, %get3A_57] : memref<6x1024xf32, #tpu.memory_space<vmem>>, vector<1x1024xf32>
      %get3A_59 = vector.shape_cast %get3A_58 : vector<1x1024xf32> to vector<1024xf32>
      %slice3A_60 = vector.extract_strided_slice %get3A_28 {offsets = [0, 1], sizes = [512, 1], strides = [1, 1]} : vector<512x6xf32> to vector<512x1xf32>
      %broadcast_in_dim3A_61 = vector.shape_cast %get3A_59 : vector<1024xf32> to vector<1x1024xf32>
      %add3A_62 = vector.broadcast %slice3A_60 : vector<512x1xf32> to vector<512x1024xf32>
      %add3A_63 = vector.broadcast %broadcast_in_dim3A_61 : vector<1x1024xf32> to vector<512x1024xf32>
      %add3A_64 = arith.addf %add3A_62, %add3A_63 : vector<512x1024xf32>
      %mul3A_65 = arith.constant 2.000000e-01 : f32
      %mul3A_66 = vector.broadcast %mul3A_65 : f32 to vector<512x1024xf32>
      %mul3A_67 = arith.mulf %mul3A_66, %add3A_64 : vector<512x1024xf32>
      %max3A_68 = arith.maximumf %add3A_64, %mul3A_67 : vector<512x1024xf32>
      %reduce_max3A_69 = arith.constant dense<0xFF800000> : vector<512xf32>
      %reduce_max3A_70 = vector.multi_reduction <maximumf>, %max3A_68, %reduce_max3A_69 [1] : vector<512x1024xf32> to vector<512xf32>
      %broadcast_in_dim3A_71 = vector.shape_cast %reduce_max3A_70 : vector<512xf32> to vector<512x1xf32>
      %sub3A_72 = vector.broadcast %broadcast_in_dim3A_71 : vector<512x1xf32> to vector<512x1024xf32>
      %sub3A_73 = arith.subf %max3A_68, %sub3A_72 : vector<512x1024xf32>
      %exp3A_74 = math.exp %sub3A_73 : vector<512x1024xf32>
      %mul3A_75 = arith.mulf %get3A_25, %exp3A_74 : vector<512x1024xf32>
      %reduce_sum3A_76 = arith.constant dense<0.000000e+00> : vector<512xf32>
      %reduce_sum3A_77 = vector.multi_reduction <add>, %mul3A_75, %reduce_sum3A_76 [1] : vector<512x1024xf32> to vector<512xf32>
      %broadcast_in_dim3A_78 = vector.shape_cast %reduce_sum3A_77 : vector<512xf32> to vector<512x1xf32>
      %get3A_79 = arith.constant 0 : index
      %get3A_80 = arith.constant 64 : index
      %get3A_81 = vector.load %arg12[%get3A_79, %get3A_80] : memref<1024x384xf32, #tpu.memory_space<vmem>>, vector<1024x64xf32>
      %dot_general3A_82 = arith.constant dense<0.000000e+00> : vector<512x64xf32>
      %dot_general3A_83 = tpu.matmul %mul3A_75, %get3A_81, %dot_general3A_82 {dimension_numbers = #tpu.dot_dimension_numbers<[1], [0], [0], [1], [0, 0, 1, 1], [], []>, precision = #tpu.contract_precision<fp32>, transpose_lhs_hint = false} : vector<512x1024xf32>, vector<1024x64xf32>, vector<512x64xf32> -> vector<512x64xf32>
      %add3A_84 = arith.constant 9.99999996E-13 : f32
      %add3A_85 = vector.broadcast %add3A_84 : f32 to vector<512x1xf32>
      %add3A_86 = arith.addf %broadcast_in_dim3A_78, %add3A_85 : vector<512x1xf32>
      %div3A_87 = arith.constant 1.000000e+00 : f32
      %div3A_88 = vector.broadcast %div3A_87 : f32 to vector<512x1xf32>
      %div3A_89 = arith.divf %div3A_88, %add3A_86 : vector<512x1xf32>
      %mul3A_90 = vector.broadcast %div3A_89 : vector<512x1xf32> to vector<512x64xf32>
      %mul3A_91 = arith.mulf %dot_general3A_83, %mul3A_90 : vector<512x64xf32>
      %add3A_92 = arith.addf %mul3A_55, %mul3A_91 : vector<512x64xf32>
      %get3A_93 = arith.constant 2 : index
      %get3A_94 = arith.constant 0 : index
      %get3A_95 = vector.load %arg15[%get3A_93, %get3A_94] : memref<6x1024xf32, #tpu.memory_space<vmem>>, vector<1x1024xf32>
      %get3A_96 = vector.shape_cast %get3A_95 : vector<1x1024xf32> to vector<1024xf32>
      %slice3A_97 = vector.extract_strided_slice %get3A_28 {offsets = [0, 2], sizes = [512, 1], strides = [1, 1]} : vector<512x6xf32> to vector<512x1xf32>
      %broadcast_in_dim3A_98 = vector.shape_cast %get3A_96 : vector<1024xf32> to vector<1x1024xf32>
      %add3A_99 = vector.broadcast %slice3A_97 : vector<512x1xf32> to vector<512x1024xf32>
      %add3A_100 = vector.broadcast %broadcast_in_dim3A_98 : vector<1x1024xf32> to vector<512x1024xf32>
      %add3A_101 = arith.addf %add3A_99, %add3A_100 : vector<512x1024xf32>
      %mul3A_102 = arith.constant 2.000000e-01 : f32
      %mul3A_103 = vector.broadcast %mul3A_102 : f32 to vector<512x1024xf32>
      %mul3A_104 = arith.mulf %mul3A_103, %add3A_101 : vector<512x1024xf32>
      %max3A_105 = arith.maximumf %add3A_101, %mul3A_104 : vector<512x1024xf32>
      %reduce_max3A_106 = arith.constant dense<0xFF800000> : vector<512xf32>
      %reduce_max3A_107 = vector.multi_reduction <maximumf>, %max3A_105, %reduce_max3A_106 [1] : vector<512x1024xf32> to vector<512xf32>
      %broadcast_in_dim3A_108 = vector.shape_cast %reduce_max3A_107 : vector<512xf32> to vector<512x1xf32>
      %sub3A_109 = vector.broadcast %broadcast_in_dim3A_108 : vector<512x1xf32> to vector<512x1024xf32>
      %sub3A_110 = arith.subf %max3A_105, %sub3A_109 : vector<512x1024xf32>
      %exp3A_111 = math.exp %sub3A_110 : vector<512x1024xf32>
      %mul3A_112 = arith.mulf %get3A_25, %exp3A_111 : vector<512x1024xf32>
      %reduce_sum3A_113 = arith.constant dense<0.000000e+00> : vector<512xf32>
      %reduce_sum3A_114 = vector.multi_reduction <add>, %mul3A_112, %reduce_sum3A_113 [1] : vector<512x1024xf32> to vector<512xf32>
      %broadcast_in_dim3A_115 = vector.shape_cast %reduce_sum3A_114 : vector<512xf32> to vector<512x1xf32>
      %get3A_116 = arith.constant 0 : index
      %get3A_117 = arith.constant 128 : index
      %get3A_118 = vector.load %arg12[%get3A_116, %get3A_117] : memref<1024x384xf32, #tpu.memory_space<vmem>>, vector<1024x64xf32>
      %dot_general3A_119 = arith.constant dense<0.000000e+00> : vector<512x64xf32>
      %dot_general3A_120 = tpu.matmul %mul3A_112, %get3A_118, %dot_general3A_119 {dimension_numbers = #tpu.dot_dimension_numbers<[1], [0], [0], [1], [0, 0, 1, 1], [], []>, precision = #tpu.contract_precision<fp32>, transpose_lhs_hint = false} : vector<512x1024xf32>, vector<1024x64xf32>, vector<512x64xf32> -> vector<512x64xf32>
      %add3A_121 = arith.constant 9.99999996E-13 : f32
      %add3A_122 = vector.broadcast %add3A_121 : f32 to vector<512x1xf32>
      %add3A_123 = arith.addf %broadcast_in_dim3A_115, %add3A_122 : vector<512x1xf32>
      %div3A_124 = arith.constant 1.000000e+00 : f32
      %div3A_125 = vector.broadcast %div3A_124 : f32 to vector<512x1xf32>
      %div3A_126 = arith.divf %div3A_125, %add3A_123 : vector<512x1xf32>
      %mul3A_127 = vector.broadcast %div3A_126 : vector<512x1xf32> to vector<512x64xf32>
      %mul3A_128 = arith.mulf %dot_general3A_120, %mul3A_127 : vector<512x64xf32>
      %add3A_129 = arith.addf %add3A_92, %mul3A_128 : vector<512x64xf32>
      %get3A_130 = arith.constant 3 : index
      %get3A_131 = arith.constant 0 : index
      %get3A_132 = vector.load %arg15[%get3A_130, %get3A_131] : memref<6x1024xf32, #tpu.memory_space<vmem>>, vector<1x1024xf32>
      %get3A_133 = vector.shape_cast %get3A_132 : vector<1x1024xf32> to vector<1024xf32>
      %slice3A_134 = vector.extract_strided_slice %get3A_28 {offsets = [0, 3], sizes = [512, 1], strides = [1, 1]} : vector<512x6xf32> to vector<512x1xf32>
      %broadcast_in_dim3A_135 = vector.shape_cast %get3A_133 : vector<1024xf32> to vector<1x1024xf32>
      %add3A_136 = vector.broadcast %slice3A_134 : vector<512x1xf32> to vector<512x1024xf32>
      %add3A_137 = vector.broadcast %broadcast_in_dim3A_135 : vector<1x1024xf32> to vector<512x1024xf32>
      %add3A_138 = arith.addf %add3A_136, %add3A_137 : vector<512x1024xf32>
      %mul3A_139 = arith.constant 2.000000e-01 : f32
      %mul3A_140 = vector.broadcast %mul3A_139 : f32 to vector<512x1024xf32>
      %mul3A_141 = arith.mulf %mul3A_140, %add3A_138 : vector<512x1024xf32>
      %max3A_142 = arith.maximumf %add3A_138, %mul3A_141 : vector<512x1024xf32>
      %reduce_max3A_143 = arith.constant dense<0xFF800000> : vector<512xf32>
      %reduce_max3A_144 = vector.multi_reduction <maximumf>, %max3A_142, %reduce_max3A_143 [1] : vector<512x1024xf32> to vector<512xf32>
      %broadcast_in_dim3A_145 = vector.shape_cast %reduce_max3A_144 : vector<512xf32> to vector<512x1xf32>
      %sub3A_146 = vector.broadcast %broadcast_in_dim3A_145 : vector<512x1xf32> to vector<512x1024xf32>
      %sub3A_147 = arith.subf %max3A_142, %sub3A_146 : vector<512x1024xf32>
      %exp3A_148 = math.exp %sub3A_147 : vector<512x1024xf32>
      %mul3A_149 = arith.mulf %get3A_25, %exp3A_148 : vector<512x1024xf32>
      %reduce_sum3A_150 = arith.constant dense<0.000000e+00> : vector<512xf32>
      %reduce_sum3A_151 = vector.multi_reduction <add>, %mul3A_149, %reduce_sum3A_150 [1] : vector<512x1024xf32> to vector<512xf32>
      %broadcast_in_dim3A_152 = vector.shape_cast %reduce_sum3A_151 : vector<512xf32> to vector<512x1xf32>
      %get3A_153 = arith.constant 0 : index
      %get3A_154 = arith.constant 192 : index
      %get3A_155 = vector.load %arg12[%get3A_153, %get3A_154] : memref<1024x384xf32, #tpu.memory_space<vmem>>, vector<1024x64xf32>
      %dot_general3A_156 = arith.constant dense<0.000000e+00> : vector<512x64xf32>
      %dot_general3A_157 = tpu.matmul %mul3A_149, %get3A_155, %dot_general3A_156 {dimension_numbers = #tpu.dot_dimension_numbers<[1], [0], [0], [1], [0, 0, 1, 1], [], []>, precision = #tpu.contract_precision<fp32>, transpose_lhs_hint = false} : vector<512x1024xf32>, vector<1024x64xf32>, vector<512x64xf32> -> vector<512x64xf32>
      %add3A_158 = arith.constant 9.99999996E-13 : f32
      %add3A_159 = vector.broadcast %add3A_158 : f32 to vector<512x1xf32>
      %add3A_160 = arith.addf %broadcast_in_dim3A_152, %add3A_159 : vector<512x1xf32>
      %div3A_161 = arith.constant 1.000000e+00 : f32
      %div3A_162 = vector.broadcast %div3A_161 : f32 to vector<512x1xf32>
      %div3A_163 = arith.divf %div3A_162, %add3A_160 : vector<512x1xf32>
      %mul3A_164 = vector.broadcast %div3A_163 : vector<512x1xf32> to vector<512x64xf32>
      %mul3A_165 = arith.mulf %dot_general3A_157, %mul3A_164 : vector<512x64xf32>
      %add3A_166 = arith.addf %add3A_129, %mul3A_165 : vector<512x64xf32>
      %get3A_167 = arith.constant 4 : index
      %get3A_168 = arith.constant 0 : index
      %get3A_169 = vector.load %arg15[%get3A_167, %get3A_168] : memref<6x1024xf32, #tpu.memory_space<vmem>>, vector<1x1024xf32>
      %get3A_170 = vector.shape_cast %get3A_169 : vector<1x1024xf32> to vector<1024xf32>
      %slice3A_171 = vector.extract_strided_slice %get3A_28 {offsets = [0, 4], sizes = [512, 1], strides = [1, 1]} : vector<512x6xf32> to vector<512x1xf32>
      %broadcast_in_dim3A_172 = vector.shape_cast %get3A_170 : vector<1024xf32> to vector<1x1024xf32>
      %add3A_173 = vector.broadcast %slice3A_171 : vector<512x1xf32> to vector<512x1024xf32>
      %add3A_174 = vector.broadcast %broadcast_in_dim3A_172 : vector<1x1024xf32> to vector<512x1024xf32>
      %add3A_175 = arith.addf %add3A_173, %add3A_174 : vector<512x1024xf32>
      %mul3A_176 = arith.constant 2.000000e-01 : f32
      %mul3A_177 = vector.broadcast %mul3A_176 : f32 to vector<512x1024xf32>
      %mul3A_178 = arith.mulf %mul3A_177, %add3A_175 : vector<512x1024xf32>
      %max3A_179 = arith.maximumf %add3A_175, %mul3A_178 : vector<512x1024xf32>
      %reduce_max3A_180 = arith.constant dense<0xFF800000> : vector<512xf32>
      %reduce_max3A_181 = vector.multi_reduction <maximumf>, %max3A_179, %reduce_max3A_180 [1] : vector<512x1024xf32> to vector<512xf32>
      %broadcast_in_dim3A_182 = vector.shape_cast %reduce_max3A_181 : vector<512xf32> to vector<512x1xf32>
      %sub3A_183 = vector.broadcast %broadcast_in_dim3A_182 : vector<512x1xf32> to vector<512x1024xf32>
      %sub3A_184 = arith.subf %max3A_179, %sub3A_183 : vector<512x1024xf32>
      %exp3A_185 = math.exp %sub3A_184 : vector<512x1024xf32>
      %mul3A_186 = arith.mulf %get3A_25, %exp3A_185 : vector<512x1024xf32>
      %reduce_sum3A_187 = arith.constant dense<0.000000e+00> : vector<512xf32>
      %reduce_sum3A_188 = vector.multi_reduction <add>, %mul3A_186, %reduce_sum3A_187 [1] : vector<512x1024xf32> to vector<512xf32>
      %broadcast_in_dim3A_189 = vector.shape_cast %reduce_sum3A_188 : vector<512xf32> to vector<512x1xf32>
      %get3A_190 = arith.constant 0 : index
      %get3A_191 = arith.constant 256 : index
      %get3A_192 = vector.load %arg12[%get3A_190, %get3A_191] : memref<1024x384xf32, #tpu.memory_space<vmem>>, vector<1024x64xf32>
      %dot_general3A_193 = arith.constant dense<0.000000e+00> : vector<512x64xf32>
      %dot_general3A_194 = tpu.matmul %mul3A_186, %get3A_192, %dot_general3A_193 {dimension_numbers = #tpu.dot_dimension_numbers<[1], [0], [0], [1], [0, 0, 1, 1], [], []>, precision = #tpu.contract_precision<fp32>, transpose_lhs_hint = false} : vector<512x1024xf32>, vector<1024x64xf32>, vector<512x64xf32> -> vector<512x64xf32>
      %add3A_195 = arith.constant 9.99999996E-13 : f32
      %add3A_196 = vector.broadcast %add3A_195 : f32 to vector<512x1xf32>
      %add3A_197 = arith.addf %broadcast_in_dim3A_189, %add3A_196 : vector<512x1xf32>
      %div3A_198 = arith.constant 1.000000e+00 : f32
      %div3A_199 = vector.broadcast %div3A_198 : f32 to vector<512x1xf32>
      %div3A_200 = arith.divf %div3A_199, %add3A_197 : vector<512x1xf32>
      %mul3A_201 = vector.broadcast %div3A_200 : vector<512x1xf32> to vector<512x64xf32>
      %mul3A_202 = arith.mulf %dot_general3A_194, %mul3A_201 : vector<512x64xf32>
      %add3A_203 = arith.addf %add3A_166, %mul3A_202 : vector<512x64xf32>
      %get3A_204 = arith.constant 5 : index
      %get3A_205 = arith.constant 0 : index
      %get3A_206 = vector.load %arg15[%get3A_204, %get3A_205] : memref<6x1024xf32, #tpu.memory_space<vmem>>, vector<1x1024xf32>
      %get3A_207 = vector.shape_cast %get3A_206 : vector<1x1024xf32> to vector<1024xf32>
      %slice3A_208 = vector.extract_strided_slice %get3A_28 {offsets = [0, 5], sizes = [512, 1], strides = [1, 1]} : vector<512x6xf32> to vector<512x1xf32>
      %broadcast_in_dim3A_209 = vector.shape_cast %get3A_207 : vector<1024xf32> to vector<1x1024xf32>
      %add3A_210 = vector.broadcast %slice3A_208 : vector<512x1xf32> to vector<512x1024xf32>
      %add3A_211 = vector.broadcast %broadcast_in_dim3A_209 : vector<1x1024xf32> to vector<512x1024xf32>
      %add3A_212 = arith.addf %add3A_210, %add3A_211 : vector<512x1024xf32>
      %mul3A_213 = arith.constant 2.000000e-01 : f32
      %mul3A_214 = vector.broadcast %mul3A_213 : f32 to vector<512x1024xf32>
      %mul3A_215 = arith.mulf %mul3A_214, %add3A_212 : vector<512x1024xf32>
      %max3A_216 = arith.maximumf %add3A_212, %mul3A_215 : vector<512x1024xf32>
      %reduce_max3A_217 = arith.constant dense<0xFF800000> : vector<512xf32>
      %reduce_max3A_218 = vector.multi_reduction <maximumf>, %max3A_216, %reduce_max3A_217 [1] : vector<512x1024xf32> to vector<512xf32>
      %broadcast_in_dim3A_219 = vector.shape_cast %reduce_max3A_218 : vector<512xf32> to vector<512x1xf32>
      %sub3A_220 = vector.broadcast %broadcast_in_dim3A_219 : vector<512x1xf32> to vector<512x1024xf32>
      %sub3A_221 = arith.subf %max3A_216, %sub3A_220 : vector<512x1024xf32>
      %exp3A_222 = math.exp %sub3A_221 : vector<512x1024xf32>
      %mul3A_223 = arith.mulf %get3A_25, %exp3A_222 : vector<512x1024xf32>
      %reduce_sum3A_224 = arith.constant dense<0.000000e+00> : vector<512xf32>
      %reduce_sum3A_225 = vector.multi_reduction <add>, %mul3A_223, %reduce_sum3A_224 [1] : vector<512x1024xf32> to vector<512xf32>
      %broadcast_in_dim3A_226 = vector.shape_cast %reduce_sum3A_225 : vector<512xf32> to vector<512x1xf32>
      %get3A_227 = arith.constant 0 : index
      %get3A_228 = arith.constant 320 : index
      %get3A_229 = vector.load %arg12[%get3A_227, %get3A_228] : memref<1024x384xf32, #tpu.memory_space<vmem>>, vector<1024x64xf32>
      %dot_general3A_230 = arith.constant dense<0.000000e+00> : vector<512x64xf32>
      %dot_general3A_231 = tpu.matmul %mul3A_223, %get3A_229, %dot_general3A_230 {dimension_numbers = #tpu.dot_dimension_numbers<[1], [0], [0], [1], [0, 0, 1, 1], [], []>, precision = #tpu.contract_precision<fp32>, transpose_lhs_hint = false} : vector<512x1024xf32>, vector<1024x64xf32>, vector<512x64xf32> -> vector<512x64xf32>
      %add3A_232 = arith.constant 9.99999996E-13 : f32
      %add3A_233 = vector.broadcast %add3A_232 : f32 to vector<512x1xf32>
      %add3A_234 = arith.addf %broadcast_in_dim3A_226, %add3A_233 : vector<512x1xf32>
      %div3A_235 = arith.constant 1.000000e+00 : f32
      %div3A_236 = vector.broadcast %div3A_235 : f32 to vector<512x1xf32>
      %div3A_237 = arith.divf %div3A_236, %add3A_234 : vector<512x1xf32>
      %mul3A_238 = vector.broadcast %div3A_237 : vector<512x1xf32> to vector<512x64xf32>
      %mul3A_239 = arith.mulf %dot_general3A_231, %mul3A_238 : vector<512x64xf32>
      %add3A_240 = arith.addf %add3A_203, %mul3A_239 : vector<512x64xf32>
      %get3A_241 = arith.constant 0 : index
      %get3A_242 = vector.load %arg6[%get3A_241] : memref<384xf32, #tpu.memory_space<vmem>>, vector<64xf32>
      %broadcast_in_dim3A_243 = vector.shape_cast %get3A_242 : vector<64xf32> to vector<1x64xf32>
      %add3A_244 = arith.constant 0.000000e+00 : f32
      %add3A_245 = vector.broadcast %add3A_244 : f32 to vector<1x64xf32>
      %add3A_246 = arith.addf %add3A_245, %broadcast_in_dim3A_243 : vector<1x64xf32>
      %get3A_247 = arith.constant 64 : index
      %get3A_248 = vector.load %arg6[%get3A_247] : memref<384xf32, #tpu.memory_space<vmem>>, vector<64xf32>
      %broadcast_in_dim3A_249 = vector.shape_cast %get3A_248 : vector<64xf32> to vector<1x64xf32>
      %add3A_250 = arith.addf %add3A_246, %broadcast_in_dim3A_249 : vector<1x64xf32>
      %get3A_251 = arith.constant 128 : index
      %get3A_252 = vector.load %arg6[%get3A_251] : memref<384xf32, #tpu.memory_space<vmem>>, vector<64xf32>
      %broadcast_in_dim3A_253 = vector.shape_cast %get3A_252 : vector<64xf32> to vector<1x64xf32>
      %add3A_254 = arith.addf %add3A_250, %broadcast_in_dim3A_253 : vector<1x64xf32>
      %get3A_255 = arith.constant 192 : index
      %get3A_256 = vector.load %arg6[%get3A_255] : memref<384xf32, #tpu.memory_space<vmem>>, vector<64xf32>
      %broadcast_in_dim3A_257 = vector.shape_cast %get3A_256 : vector<64xf32> to vector<1x64xf32>
      %add3A_258 = arith.addf %add3A_254, %broadcast_in_dim3A_257 : vector<1x64xf32>
      %get3A_259 = arith.constant 256 : index
      %get3A_260 = vector.load %arg6[%get3A_259] : memref<384xf32, #tpu.memory_space<vmem>>, vector<64xf32>
      %broadcast_in_dim3A_261 = vector.shape_cast %get3A_260 : vector<64xf32> to vector<1x64xf32>
      %add3A_262 = arith.addf %add3A_258, %broadcast_in_dim3A_261 : vector<1x64xf32>
      %get3A_263 = arith.constant 320 : index
      %get3A_264 = vector.load %arg6[%get3A_263] : memref<384xf32, #tpu.memory_space<vmem>>, vector<64xf32>
      %broadcast_in_dim3A_265 = vector.shape_cast %get3A_264 : vector<64xf32> to vector<1x64xf32>
      %add3A_266 = arith.addf %add3A_262, %broadcast_in_dim3A_265 : vector<1x64xf32>
      %mul3A_267 = arith.constant 0.166666672 : f32
      %mul3A_268 = vector.broadcast %mul3A_267 : f32 to vector<1x64xf32>
      %mul3A_269 = arith.mulf %add3A_266, %mul3A_268 : vector<1x64xf32>
      %mul3A_270 = arith.constant 0.166666672 : f32
      %mul3A_271 = vector.broadcast %mul3A_270 : f32 to vector<512x64xf32>
      %mul3A_272 = arith.mulf %add3A_240, %mul3A_271 : vector<512x64xf32>
      %add3A_273 = vector.broadcast %mul3A_269 : vector<1x64xf32> to vector<512x64xf32>
      %add3A_274 = arith.addf %mul3A_272, %add3A_273 : vector<512x64xf32>
      %swap3A = arith.index_cast %mul3A_23 : i32 to index
      %swap3A_275 = arith.constant 0 : index
      %swap3A_276 = vector.load %arg16[%swap3A, %swap3A_275] : memref<1024x64xf32, #tpu.memory_space<vmem>>, vector<512x64xf32>
      tpu.vector_store %arg16[%swap3A, %swap3A_275], %add3A_274 {strides = array<i32>} : memref<1024x64xf32, #tpu.memory_space<vmem>>, vector<512x64xf32>,
    } else {
    }
    %eq3A_12 = arith.constant 4 : i32
    %eq3A_13 = arith.cmpi eq, %arg0, %eq3A_12 : i32
    %convert_element_type3A_14 = arith.extui %eq3A_13 : i1 to i32
    %cond3A_15 = arith.constant 0 : i32
    %cond3A_16 = arith.cmpi ne, %convert_element_type3A_14, %cond3A_15 : i32
    scf.if %cond3A_16 {
      %get3A = arith.constant 0 : index
      %get3A_22 = arith.constant 0 : index
      %get3A_23 = vector.load %arg16[%get3A, %get3A_22] : memref<1024x64xf32, #tpu.memory_space<vmem>>, vector<1024x64xf32>
      %transpose3A = tpu.transpose %get3A_23, [1, 0] : vector<1024x64xf32> -> vector<64x1024xf32>
      %swap3A = arith.constant 0 : index
      %swap3A_24 = arith.constant 0 : index
      %swap3A_25 = vector.load %arg17[%swap3A, %swap3A_24] : memref<64x1024xf32, #tpu.memory_space<vmem>>, vector<64x1024xf32>
      tpu.vector_store %arg17[%swap3A, %swap3A_24], %transpose3A {strides = array<i32>} : memref<64x1024xf32, #tpu.memory_space<vmem>>, vector<64x1024xf32>,
    } else {
    }
    %ge3A_17 = arith.constant 4 : i32
    %ge3A_18 = arith.cmpi sge, %arg0, %ge3A_17 : i32
    %convert_element_type3A_19 = arith.extui %ge3A_18 : i1 to i32
    %cond3A_20 = arith.constant 0 : i32
    %cond3A_21 = arith.cmpi ne, %convert_element_type3A_19, %cond3A_20 : i32
    scf.if %cond3A_21 {
      %sub3A = arith.constant 4 : i32
      %sub3A_22 = arith.subi %arg0, %sub3A : i32
      %mul3A = arith.constant 512 : i32
      %mul3A_23 = arith.muli %sub3A_22, %mul3A : i32
      %get3A = arith.constant 0 : index
      %get3A_24 = arith.constant 0 : index
      %get3A_25 = vector.load %arg8[%get3A, %get3A_24] : memref<1x64xf32, #tpu.memory_space<vmem>>, vector<1x64xf32>
      %get3A_26 = arith.constant 0 : index
      %get3A_27 = arith.constant 0 : index
      %get3A_28 = vector.load %arg17[%get3A_26, %get3A_27] : memref<64x1024xf32, #tpu.memory_space<vmem>>, vector<64x1024xf32>
      %dot_general3A = arith.constant dense<0.000000e+00> : vector<1x1024xf32>
      %dot_general3A_29 = tpu.matmul %get3A_25, %get3A_28, %dot_general3A {dimension_numbers = #tpu.dot_dimension_numbers<[1], [0], [0], [1], [0, 0, 1, 1], [], []>, transpose_lhs_hint = false} : vector<1x64xf32>, vector<64x1024xf32>, vector<1x1024xf32> -> vector<1x1024xf32>
      %get3A_30 = arith.index_cast %mul3A_23 : i32 to index
      %get3A_31 = arith.constant 0 : index
      %get3A_32 = vector.load %arg16[%get3A_30, %get3A_31] : memref<1024x64xf32, #tpu.memory_space<vmem>>, vector<512x64xf32>
      %get3A_33 = arith.constant 0 : index
      %get3A_34 = arith.constant 0 : index
      %get3A_35 = vector.load %arg9[%get3A_33, %get3A_34] : memref<1x64xf32, #tpu.memory_space<vmem>>, vector<1x64xf32>
      %mul3A_36 = vector.broadcast %get3A_35 : vector<1x64xf32> to vector<512x64xf32>
      %mul3A_37 = arith.mulf %get3A_32, %mul3A_36 : vector<512x64xf32>
      %reduce_sum3A = arith.constant dense<0.000000e+00> : vector<512xf32>
      %reduce_sum3A_38 = vector.multi_reduction <add>, %mul3A_37, %reduce_sum3A [1] : vector<512x64xf32> to vector<512xf32>
      %broadcast_in_dim3A = vector.shape_cast %reduce_sum3A_38 : vector<512xf32> to vector<512x1xf32>
      %add3A = vector.broadcast %broadcast_in_dim3A : vector<512x1xf32> to vector<512x1024xf32>
      %add3A_39 = vector.broadcast %dot_general3A_29 : vector<1x1024xf32> to vector<512x1024xf32>
      %add3A_40 = arith.addf %add3A, %add3A_39 : vector<512x1024xf32>
      %get3A_41 = arith.constant 0 : index
      %get3A_42 = arith.constant 0 : index
      %get3A_43 = vector.load %arg7[%get3A_41, %get3A_42] : memref<512x1024xf32, #tpu.memory_space<vmem>>, vector<512x1024xf32>
      %get3A_44 = arith.constant 0 : index
      %get3A_45 = arith.constant 0 : index
      %get3A_46 = vector.load %arg10[%get3A_44, %get3A_45] : memref<1x2xf32, #tpu.memory_space<vmem>>, vector<1x1xf32>
      %mul3A_47 = vector.broadcast %get3A_46 : vector<1x1xf32> to vector<512x1024xf32>
      %mul3A_48 = arith.mulf %get3A_43, %mul3A_47 : vector<512x1024xf32>
      %add3A_49 = arith.addf %add3A_40, %mul3A_48 : vector<512x1024xf32>
      %get3A_50 = arith.constant 0 : index
      %get3A_51 = arith.constant 1 : index
      %get3A_52 = vector.load %arg10[%get3A_50, %get3A_51] : memref<1x2xf32, #tpu.memory_space<vmem>>, vector<1x1xf32>
      %add3A_53 = vector.broadcast %get3A_52 : vector<1x1xf32> to vector<512x1024xf32>
      %add3A_54 = arith.addf %add3A_49, %add3A_53 : vector<512x1024xf32>
      %tanh3A = math.tanh %add3A_54 : vector<512x1024xf32>
      %swap3A = arith.constant 0 : index
      %swap3A_55 = arith.constant 0 : index
      %swap3A_56 = vector.load %arg11[%swap3A, %swap3A_55] : memref<512x1024xf32, #tpu.memory_space<vmem>>, vector<512x1024xf32>
      tpu.vector_store %arg11[%swap3A, %swap3A_55], %tanh3A {strides = array<i32>} : memref<512x1024xf32, #tpu.memory_space<vmem>>, vector<512x1024xf32>,
    } else {
    }
    return
  }
  func.func @transform_0(%arg0: i32) -> (i32, i32) {
    %min3A = arith.constant 1 : i32
    %min3A_0 = arith.minsi %arg0, %min3A : i32
    %c0_i32 = arith.constant 0 : i32
    %c0_i32_1 = arith.constant 0 : i32
    return %min3A_0, %c0_i32 : i32, i32
  }
  func.func @transform_1(%arg0: i32) -> (i32, i32) {
    %c0_i32 = arith.constant 0 : i32
    %c0_i32_0 = arith.constant 0 : i32
    %c0_i32_1 = arith.constant 0 : i32
    return %c0_i32, %c0_i32_0 : i32, i32
  }
  func.func @transform_2(%arg0: i32) -> (i32, i32) {
    %c0_i32 = arith.constant 0 : i32
    %c0_i32_0 = arith.constant 0 : i32
    %c0_i32_1 = arith.constant 0 : i32
    return %c0_i32, %c0_i32_0 : i32, i32
  }
  func.func @transform_3(%arg0: i32) -> (i32, i32) {
    %c0_i32 = arith.constant 0 : i32
    %c0_i32_0 = arith.constant 0 : i32
    %c0_i32_1 = arith.constant 0 : i32
    return %c0_i32, %c0_i32_0 : i32, i32
  }
  func.func @transform_4(%arg0: i32) -> (i32, i32) {
    %sub3A = arith.constant 2 : i32
    %sub3A_0 = arith.subi %arg0, %sub3A : i32
    %jit3A = arith.constant 0 : i32
    %jit3A_1 = arith.constant 1 : i32
    %max3A = arith.maxsi %jit3A, %sub3A_0 : i32
    %min3A = arith.minsi %jit3A_1, %max3A : i32
    %c0_i32 = arith.constant 0 : i32
    %c0_i32_2 = arith.constant 0 : i32
    return %min3A, %c0_i32 : i32, i32
  }
  func.func @transform_5(%arg0: i32) -> i32 {
    %c0_i32 = arith.constant 0 : i32
    %c0_i32_0 = arith.constant 0 : i32
    return %c0_i32 : i32
  }
  func.func @transform_6(%arg0: i32) -> (i32, i32) {
    %sub3A = arith.constant 4 : i32
    %sub3A_0 = arith.subi %arg0, %sub3A : i32
    %jit3A = arith.constant 0 : i32
    %jit3A_1 = arith.constant 1 : i32
    %max3A = arith.maxsi %jit3A, %sub3A_0 : i32
    %min3A = arith.minsi %jit3A_1, %max3A : i32
    %c0_i32 = arith.constant 0 : i32
    %c0_i32_2 = arith.constant 0 : i32
    return %min3A, %c0_i32 : i32, i32
  }
  func.func @transform_7(%arg0: i32) -> (i32, i32) {
    %c0_i32 = arith.constant 0 : i32
    %c0_i32_0 = arith.constant 0 : i32
    %c0_i32_1 = arith.constant 0 : i32
    return %c0_i32, %c0_i32_0 : i32, i32
  }
  func.func @transform_8(%arg0: i32) -> (i32, i32) {
    %c0_i32 = arith.constant 0 : i32
    %c0_i32_0 = arith.constant 0 : i32
    %c0_i32_1 = arith.constant 0 : i32
    return %c0_i32, %c0_i32_0 : i32, i32
  }
  func.func @transform_9(%arg0: i32) -> (i32, i32) {
    %c0_i32 = arith.constant 0 : i32
    %c0_i32_0 = arith.constant 0 : i32
    %c0_i32_1 = arith.constant 0 : i32
    return %c0_i32, %c0_i32_0 : i32, i32
  }
  func.func @transform_10(%arg0: i32) -> (i32, i32) {
    %sub3A = arith.constant 4 : i32
    %sub3A_0 = arith.subi %arg0, %sub3A : i32
    %jit3A = arith.constant 0 : i32
    %jit3A_1 = arith.constant 1 : i32
    %max3A = arith.maxsi %jit3A, %sub3A_0 : i32
    %min3A = arith.minsi %jit3A_1, %max3A : i32
    %c0_i32 = arith.constant 0 : i32
    %c0_i32_2 = arith.constant 0 : i32
    return %min3A, %c0_i32 : i32, i32
  }
}

</mosaic_0001>

<sc_bundles>
// kernel: kernel.8.cloned.1.call-start
scs
__scs_entry_jumppad:
0x0: {  	(pc) =	sbr.rel $0x88, $3  }
0x1: {  	(tag) =	ssettag $0x0;
	lr =	simm.s32 $0x1  }
0x2: {  	[smem:$0x3F8C] =	sst lr;
	_ =	strace $0xD0000000  }
0x3: {  	_ = 	snop  }
0x4: {  	_ = 	snop  }
0x5: {  	_ = 	snop  }
0x6: {  	_ = 	snop  }
0x7: {  	_ = 	snop  }
__scs_overlays_trampoline_lowered:
0x8: {  	[smem:$0x3F9B] =	sst s0  }
0x9: {  	[smem:$0x3F9C] =	sst s1  }
0xa: {  	[smem:$0x3F9D] =	sst s2  }
0xb: {  	[smem:$0x3F9E] =	sst s3  }
0xc: {  	[smem:$0x3F9F] =	sst s4  }
0xd: {  	[smem:$0x3FA0] =	sst s5  }
0xe: {  	[smem:$0x3FA1] =	sst s6  }
0xf: {  	[smem:$0x3FA2] =	sst s7  }
0x10: {  	[smem:$0x3FA3] =	sst s8  }
0x11: {  	[smem:$0x3FA4] =	sst s9;
	s0 =	simm.s32 @!p0 $0x0  }
0x12: {  	s1 =	sld [smem:$0x3F8A];
	s0 =	simm.s32 @p0 $0x1  }
0x13: {  	[smem:$0x3FA5] =	sst s0;
	s0 =	simm.s32 @!p1 $0x0  }
0x14: {  	s2 =	sld [smem:$0x3F89];
	s0 =	simm.s32 @p1 $0x1  }
0x15: {  	[smem:$0x3FA6] =	sst s0;
	s0 =	simm.s32 @!p2 $0x0  }
0x16: {  	s3 =	sld [smem:$0x3FDB];
	s0 =	simm.s32 @p2 $0x1  }
0x17: {  	s4 =	simm.s32 $0x1BF5;
	[smem:$0x3FA8] =	sst s0  }
0x18: {  	s0 =	sld [smem:$0x3F8B];
	_ =	swait.ge [sflag:s4], $0x0  }
0x19: {  	s7 =	sld [smem:$0x3F8C]  }
0x1a: {  	s8 =	sadd.s32 $0xFFFFE003, lr  }
0x1b: {  	s9 =	sadd.s32 $0xFFFFFEF7, lr;
	s5 =	simm.s32 $0xFFFFFFFF;
	p2 =	slt.u32 s8, $0xFFFFF086  }
0x1c: {  	p1 =	slt.u32 s9, $0xF7A;
	s5 =	simm.s32 @!p2 $0x0  }
0x1d: {  	s5 =	simm.s32 @p1 $0x1;
	p0 =	seq.s32 s7, s2  }
0x1e: {  	s7 =	smul.u32 @!p0 $0xF7A, s2;
	p2 =	seq.s32 @!p0 s5, $0x0  }
0x1f: {  	s9 =	smul.u32 $0xF7A, s1;
	s8 =	simm.s32 @!p0 $0x1BF5;
	p2 =	por !p2, p0  }
0x20: {  	[sflag:s8] =	ssyncset.s32 @!p0 $0xFFFFF086;
	s6 =	sadd.s32 @!p0 s3, s7;
	s7 =	simm.s32 @!p0 $0x108  }
0x21: {  	s3 =	sadd.s32 s3, s9;
	s6 =	sadd.s32 @!p0 $0x88, s6;
	s7 =	simm.s32 @p2 $0x1082  }
0x22: {  	[simem:s7], [sflag:s8] =	dma.local @!p0 [hbm:s6], $0xF7A  }
0x23: {  	s9 =	sor.u32 $0xD0000000, s2;
	s6 =	simm.s32 $0x108;
	_ =	swait.ge @!p0 [sflag:s8], $0x0  }
0x24: {  	s3 =	sadd.s32 $0x88, s3;
	s6 =	simm.s32 @!p1 $0x1082;
	[sflag:s4] =	ssyncset.s32 $0xFFFFF086  }
0x25: {  	[simem:s6], [sflag:s4] =	dma.local [hbm:s3], $0xF7A  }
0x26: {  	[smem:$0x3F8C] =	sst s1;
	(tag) =	ssettag s2;
	_ =	strace s9  }
0x27: {  	s1 =	sld [smem:$0x3F9C]  }
0x28: {  	s2 =	sld [smem:$0x3F9D]  }
0x29: {  	s4 =	sld [smem:$0x3F9F]  }
0x2a: {  	p0 =	seq.s32 s5, $0x0;
	s5 =	sld [smem:$0x3FA0]  }
0x2b: {  	s6 =	sld [smem:$0x3FA1]  }
0x2c: {  	s7 =	sld [smem:$0x3FA2]  }
0x2d: {  	s3 =	simm.s32 $0x108;
	s8 =	sld [smem:$0x3FA3]  }
0x2e: {  	s3 =	simm.s32 @!p0 $0x1082;
	s9 =	sld [smem:$0x3FA4]  }
0x2f: {  	lr =	sadd.s32 s0, s3;
	s0 =	sld [smem:$0x3F9B]  }
0x30: {  	s3 =	sld [smem:$0x3F9E]  }
0x31: {  	[smem:$0x3FA7] =	sst s10  }
0x32: {  	s10 =	sld [smem:$0x3FA5];
	_ =	sdelay $0x3  }
0x33: {  	p0 =	seq.s32 s10, $0x1;
	s10 =	sld [smem:$0x3FA7];
	_ =	sdelay $0x3  }
0x34: {  	[smem:$0x3FA7] =	sst s10  }
0x35: {  	s10 =	sld [smem:$0x3FA6];
	_ =	sdelay $0x3  }
0x36: {  	p1 =	seq.s32 s10, $0x1;
	s10 =	sld [smem:$0x3FA7];
	_ =	sdelay $0x3  }
0x37: {  	[smem:$0x3FA7] =	sst s10  }
0x38: {  	s10 =	sld [smem:$0x3FA8]  }
0x39: {  	_ = 	snop;
	(pc) =	sbr.ind lr, $3  }
0x3a: {  	_ = 	snop  }
0x3b: {  	_ = 	snop  }
0x3c: {  	p2 =	seq.s32 s10, $0x1;
	s10 =	sld [smem:$0x3FA7]  }
0x3d: {  	_ =	shalt  }
0x3e: {  	_ =	shalt  }
0x3f: {  	_ =	shalt  }
0x40: {  	_ =	shalt  }
0x41: {  	_ =	shalt  }
0x42: {  	_ =	shalt  }
0x43: {  	_ =	shalt  }
0x44: {  	_ =	shalt  }
0x45: {  	_ =	shalt  }
0x46: {  	_ =	shalt  }
0x47: {  	_ =	shalt  }
0x48: {  	_ =	shalt  }
0x49: {  	_ =	shalt  }
0x4a: {  	_ =	shalt  }
0x4b: {  	_ =	shalt  }
0x4c: {  	_ =	shalt  }
0x4d: {  	_ =	shalt  }
0x4e: {  	_ =	shalt  }
0x4f: {  	_ =	shalt  }
0x50: {  	_ =	shalt  }
0x51: {  	_ =	shalt  }
0x52: {  	_ =	shalt  }
0x53: {  	_ =	shalt  }
0x54: {  	_ =	shalt  }
0x55: {  	_ =	shalt  }
0x56: {  	_ =	shalt  }
0x57: {  	_ =	shalt  }
0x58: {  	_ =	shalt  }
0x59: {  	_ =	shalt  }
0x5a: {  	_ =	shalt  }
0x5b: {  	_ =	shalt  }
0x5c: {  	_ =	shalt  }
0x5d: {  	_ =	shalt  }
0x5e: {  	_ =	shalt  }
0x5f: {  	_ =	shalt  }
0x60: {  	_ =	shalt  }
0x61: {  	_ =	shalt  }
0x62: {  	_ =	shalt  }
0x63: {  	_ =	shalt  }
0x64: {  	_ =	shalt  }
0x65: {  	_ =	shalt  }
0x66: {  	_ =	shalt  }
0x67: {  	_ =	shalt  }
0x68: {  	_ =	shalt  }
0x69: {  	_ =	shalt  }
0x6a: {  	_ =	shalt  }
0x6b: {  	_ =	shalt  }
0x6c: {  	_ =	shalt  }
0x6d: {  	_ =	shalt  }
0x6e: {  	_ =	shalt  }
0x6f: {  	_ =	shalt  }
0x70: {  	_ =	shalt  }
0x71: {  	_ =	shalt  }
0x72: {  	_ =	shalt  }
0x73: {  	_ =	shalt  }
0x74: {  	_ =	shalt  }
0x75: {  	_ =	shalt  }
0x76: {  	_ =	shalt  }
0x77: {  	_ =	shalt  }
0x78: {  	_ =	shalt  }
0x79: {  	_ =	shalt  }
0x7a: {  	_ =	shalt  }
0x7b: {  	_ =	shalt  }
0x7c: {  	_ =	shalt  }
0x7d: {  	_ =	shalt  }
0x7e: {  	_ =	shalt  }
0x7f: {  	_ =	shalt  }
0x80: {  	_ =	shalt  }
0x81: {  	_ =	shalt  }
0x82: {  	_ =	shalt  }
0x83: {  	_ =	shalt  }
0x84: {  	_ =	shalt  }
0x85: {  	_ =	shalt  }
0x86: {  	_ =	shalt  }
0x87: {  	_ =	shalt  }
.Lfunc_end0:
.L_simem_size_0:
called_computation_lowered:
.L_overlay_start_0:
0x88: {  	s2 =	sld [smem:$0x3FD9]  }
0x89: {  	s3 =	sld [smem:$0x3FFE];
	_ =	sdelay $0x1  }
0x8a: {  	s1 =	srdreg.scid  }
0x8b: {  	s0 =	sand.u32 $0x1, s1  }
0x8c: {  	s17 =	sshll.u32 s0, $0xA;
	s2 =	sadd.s32 s3, s2  }
0x8d: {  	s2 =	sadd.s32 s2, s17  }
0x8e: {  	[smem:$0x3FB3] =	sst s2  }
0x8f: {  	_ = 	snop  }
0x90: {  	s2 =	sld [smem:$0x3FC8]  }
0x91: {  	s18 =	sld [smem:$0x3FD0];
	(tm) =	ssettm $0x1  }
0x92: {  	s4 =	sld [smem:$0x3FFB];
	_ =	sdelay $0x3  }
0x93: {  	_ =	strace s4  }
0x94: {  	s4 =	sld [smem:$0x3FFC];
	_ =	sdelay $0x3  }
0x95: {  	_ =	strace s4  }
0x96: {  	s4 =	sld [smem:$0x3FFD];
	_ =	sdelay $0x3  }
0x97: {  	_ =	strace s4  }
0x98: {  	_ =	strace $0x8FFFFFFF  }
0x99: {  	s19 =	sld [smem:$0x3FDB];
	_ =	sdelay $0x1  }
0x9a: {  	s5 =	simm.s32 $_scs_section_size  }
0x9b: {  	s6 =	simm.s32 $_size__tile_overlayer_lowered;
	s7 =	simm.s32 $_tile_overlayer_lowered  }
0x9c: {  	s22 =	simm.s32 $0x1BFF;
	s21 =	sshll.u32 s7, $0x1;
	s4 =	sadd.s32 s5, s19  }
0x9d: {  	s8 =	simm.s32 $0x0;
	s20 =	sshll.u32 s6, $0x1;
	s6 =	sadd.s32 s21, s4  }
0x9e: {  	[timem:s8], [sflag:s22] =	dma.local [hbm:s6], s20  }
0x9f: {  	_ =	swait.ge [sflag:s22], s20  }
0xa0: {  	s5 =	ssub.s32 $0x0, s20;
	[sflag:s22] =	ssyncset.done $0x0  }
0xa1: {  	[sflag:s22] =	ssyncadd.s32 s5;
	_ =	sdelay $0x1  }
0xa2: {  	s23 =	simm.s32 $0x1B8B  }
0xa3: {  	_ =	swait.ge [sflag:s23], $0x1  }
0xa4: {  	[sflag:s23] =	ssyncset.done $0x0  }
0xa5: {  	s25 =	simm.s32 $0x1B8E;
	s24 =	sld [smem:$0x3FFE];
	[sflag:s23] =	ssyncadd.s32 $0xFFFFFFFF  }
0xa6: {  	s26 =	simm.s32 $execute0_lowered;
	[smem:$0x3FD2] =	sst s25  }
0xa7: {  	s6 =	sshll.u32 s26, $0x1;
	_ =	strace $0x80000046;
	[dreg:$0x1] =	wrdreg $0xFFFFFFFF  }
0xa8: {  	s28 =	simm.s32 $_size_execute0_lowered;
	s4 =	sadd.s32 s4, s6;
	[dreg:$0x0] =	wrdreg $0x0  }
0xa9: {  	s6 =	sshll.u32 s28, $0x1;
	[dreg:$0x2] =	wrdreg s4  }
0xaa: {  	[dreg:$0x3] =	wrdreg s6  }
0xab: {  	[dreg:$0x4] =	wrdreg $0xC0  }
0xac: {  	_ =	task [dreg:s8], $0x5FFFF  }
0xad: {  	[dreg:$0x1] =	wrdreg $0xFFFFFFFF  }
0xae: {  	[dreg:$0x0] =	wrdreg $0x60  }
0xaf: {  	[dreg:$0x2] =	wrdreg s2  }
0xb0: {  	[dreg:$0x3] =	wrdreg s18  }
0xb1: {  	[dreg:$0x4] =	wrdreg s24  }
0xb2: {  	[dreg:$0x5] =	wrdreg $0x9  }
0xb3: {  	_ =	task.clear_ibuf [dreg:s8], $0x6FFFF;
	_ =	strace $0x90000046  }
0xb4: {  	s29 =	simm.s32 $0x9;
	_ =	strace $0x80000048  }
0xb5: {  	_ =	swait.ge [sflag:s29], $0x1  }
0xb6: {  	[sflag:s29] =	ssyncadd.s32 $0xFFFFFFFF  }
0xb7: {  	_ =	strace $0x90000048  }
0xb8: {  	_ =	sfence  }
0xb9: {  	s30 =	sld [smem:$0x0];
	_ =	sdelay $0x2  }
0xba: {  	s31 =	sshll.u32 s1, $0xD;
	s1 =	sshrl.u32 s1, $0x2  }
0xbb: {  	s3 =	sand.u32 $0x4000, s31;
	s1 =	sadd.s32 s1, s30  }
0xbc: {  	s0 =	sor.u32 s3, s0;
	s1 =	sshll.u32 s1, $0x11  }
0xbd: {  	s0 =	sor.u32 s1, s0  }
0xbe: {  	s0 =	sadd.s32 $0x8F2B, s0  }
0xbf: {  	[sflag:s0] =	ssyncadd.remote.s32 $0x1  }
0xc0: {  	_ =	sfence.sel $0xFFFF  }
0xc1: {  	[dreg:$0x0] =	wrdreg $0xFFFFFFFF;
	(pc) =	sbr.abs _section_cstart, $3  }
0xc2: {  	[dreg:$0x1] =	wrdreg $0xFFFFFFFF  }
0xc3: {  	_ =	task.clear_ibuf [dreg:s8], $0x2FFFF;
	_ =	strace $0x9FFFFFFF  }
0xc4: {  	(tm) =	ssettm $0x7FFFFFFF  }
0xc5: {  	_ =	shalt  }
tec
execute0_lowered:
.L_overlay_start_1:
0x0: {  	(tag) =	ssettag $0x1  }
0x1: {  	s1 =	rddreg [dreg:$0x0]  }
0x2: {  	s2 =	rddreg [dreg:$0x1]  }
0x3: {  	s5 =	rddreg [dreg:$0x2];
	s3 =	srdreg.scid  }
0x4: {  	s0 =	rddreg [dreg:$0x3];
	s4 =	simm.s32 $0x0;
	s10 =	simm.s32 $0x80  }
0x5: {  	s11 =	simm.s32 $0x100;
	s13 =	simm.s32 $0x12000;
	s14 =	simm.s32 $0x0  }
0x6: {  	s6 =	sand.u32 $0x1, s3;
	[smem:$0x7FF] =	sst s4;
	s3 =	stileid.u32  }
0x7: {  	s7 =	ssub.s32 $0x2, s6;
	_ =	strace $0x80000047;
	s8 =	sshll.u32 s3, $0xD  }
0x8: {  	s31 =	sshll.u32 s6, $0x11;
	s12 =	sshll.u32 s3, $0x6;
	s9 =	sshrl.u32 s7, $0x1  }
0x9: {  	s8 =	sadd.s32 s8, s5;
	s5 =	sshll.u32 s6, $0xD;
	s6 =	sadd.s32 $0x10, s1  }
0xa: {  	v0 =	vmov s12;
	s12 =	simm.s32 $0x10000;
	s9 =	ssub.s32 s7, s9;
	s7 =	sadd.s32 s31, s8  }
0xb: {  	v1 =	vimm.f32 $1.000000000e+00;
	s7 =	sadd.s32 $0x3000, s7;
	s8 =	smax.u32 s9, $0x1;
	s9 =	simm.s32 $0x1  }
.LBB2_1:
0xc: {  	[tilespmem:s4], [sflag:$0x1] =	stream.linear.gather [hbm4b:s2+s4], $0x10000, $0x38;
	[tilespmem:$0x14000] =	vst v63  }
0xd: {  	_ =	swait.ge [sflag:s9], $0x10000  }
0xe: {  	[sflag:s9] =	ssyncset.done $0x0  }
0xf: {  	s15 =	simm.s32 $0x0;
	[sflag:s9] =	ssyncadd.s32 $0xFFFF0000  }
.LBB2_2:
0x10: {  	s16 =	sshll.u32 s15, $0xB  }
0x11: {  	s16 =	sadd.s32 s5, s16  }
0x12: {  	s17 =	sadd.s32 s1, s16  }
0x13: {  	[tilespmem:s12], [sflag:$0x1] =	stream.strided.gather [hbm4b:s17+s10], $0x2000, s11, s10, $0x38;
	[tilespmem:$0x14000] =	vst v63  }
0x14: {  	_ =	swait.ge [sflag:s9], $0x2000  }
0x15: {  	[sflag:s9] =	ssyncset.done $0x0  }
0x16: {  	s16 =	sadd.s32 s16, s6;
	[sflag:s9] =	ssyncadd.s32 $0xFFFFE000  }
0x17: {  	[tilespmem:s13], [sflag:$0x1] =	stream.strided.gather [hbm4b:s16+s10], $0x2000, s11, s10, $0x38;
	[tilespmem:$0x14000] =	vst v63  }
0x18: {  	_ =	swait.ge [sflag:s9], $0x2000  }
0x19: {  	[sflag:s9] =	ssyncset.done $0x0  }
0x1a: {  	s16 =	simm.s32 $0x0;
	[sflag:s9] =	ssyncadd.s32 $0xFFFFE000  }
.LBB2_3:
0x1b: {  	s17 =	sshra.s32 s16, $0x2  }
0x1c: {  	v2 =	vld [tilespmem:s17+$0x12000];
	_ =	sdelay $0x2  }
0x1d: {  	v3 =	vld [tilespmem:s17+$0x10000];
	_ =	sdelay $0x1  }
0x1e: {  	v2 =	vsub.s32 v2, v0  }
0x1f: {  	vm0 =	vlt.u32 v2, $0x40  }
0x20: {  	v2 =	vnsel vm0, $0x0, v2  }
0x21: {  	v5 =	vshll.u32 v3, $0x3;
	v4 =	vshll.u32 v2, $0xA  }
0x22: {  	v5 =	vand.u32 $0xFFFFFC00, v5;
	v2 =	vshll.u32 v2, $0x7;
	v4 =	vand.u32 $0xFFFFE000, v4  }
0x23: {  	v2 =	vand.u32 $0x380, v2;
	v4 =	vadd.s32 v5, v4  }
0x24: {  	v3 =	vand.u32 $0x7F, v3;
	v2 =	vor.u32 v2, v4  }
0x25: {  	v2 =	vor.u32 v3, v2;
	_ =	sdelay $0x4  }
0x26: {  	[tilespmem:v2+s4+$0x0] =	vst.idx.add.f32.msk vm0, v1  }
0x27: {  	v2 =	vld [tilespmem:s17+$0x12010];
	_ =	sdelay $0x2  }
0x28: {  	v3 =	vld [tilespmem:s17+$0x10010];
	_ =	sdelay $0x1  }
0x29: {  	v2 =	vsub.s32 v2, v0  }
0x2a: {  	vm13 =	vlt.u32 v2, $0x40  }
0x2b: {  	v2 =	vnsel vm13, $0x0, v2  }
0x2c: {  	v59 =	vshll.u32 v3, $0x3;
	v58 =	vshll.u32 v2, $0xA  }
0x2d: {  	v5 =	vand.u32 $0xFFFFFC00, v59;
	v2 =	vshll.u32 v2, $0x7;
	v4 =	vand.u32 $0xFFFFE000, v58  }
0x2e: {  	v2 =	vand.u32 $0x380, v2;
	v4 =	vadd.s32 v5, v4  }
0x2f: {  	v3 =	vand.u32 $0x7F, v3;
	v2 =	vor.u32 v2, v4  }
0x30: {  	v2 =	vor.u32 v3, v2;
	_ =	sdelay $0x4  }
0x31: {  	[tilespmem:v2+s4+$0x0] =	vst.idx.add.f32.msk vm13, v1  }
0x32: {  	v2 =	vld [tilespmem:s17+$0x12020];
	_ =	sdelay $0x2  }
0x33: {  	v3 =	vld [tilespmem:s17+$0x10020];
	_ =	sdelay $0x1  }
0x34: {  	v2 =	vsub.s32 v2, v0  }
0x35: {  	vm14 =	vlt.u32 v2, $0x40  }
0x36: {  	v2 =	vnsel vm14, $0x0, v2  }
0x37: {  	v61 =	vshll.u32 v3, $0x3;
	v60 =	vshll.u32 v2, $0xA  }
0x38: {  	v5 =	vand.u32 $0xFFFFFC00, v61;
	v2 =	vshll.u32 v2, $0x7;
	v4 =	vand.u32 $0xFFFFE000, v60  }
0x39: {  	v2 =	vand.u32 $0x380, v2;
	v4 =	vadd.s32 v5, v4  }
0x3a: {  	v3 =	vand.u32 $0x7F, v3;
	v2 =	vor.u32 v2, v4  }
0x3b: {  	v2 =	vor.u32 v3, v2;
	_ =	sdelay $0x4  }
0x3c: {  	[tilespmem:v2+s4+$0x0] =	vst.idx.add.f32.msk vm14, v1  }
0x3d: {  	v2 =	vld [tilespmem:s17+$0x12030];
	_ =	sdelay $0x2  }
0x3e: {  	v3 =	vld [tilespmem:s17+$0x10030];
	_ =	sdelay $0x1  }
0x3f: {  	v2 =	vsub.s32 v2, v0  }
0x40: {  	vm15 =	vlt.u32 v2, $0x40  }
0x41: {  	v2 =	vnsel vm15, $0x0, v2  }
0x42: {  	v63 =	vshll.u32 v3, $0x3;
	v62 =	vshll.u32 v2, $0xA  }
0x43: {  	v5 =	vand.u32 $0xFFFFFC00, v63;
	v2 =	vshll.u32 v2, $0x7;
	v4 =	vand.u32 $0xFFFFE000, v62  }
0x44: {  	v2 =	vand.u32 $0x380, v2;
	v4 =	vadd.s32 v5, v4  }
0x45: {  	v3 =	vand.u32 $0x7F, v3;
	v2 =	vor.u32 v2, v4  }
0x46: {  	p0 =	sne.s32 s16, $0x7F00;
	v2 =	vor.u32 v3, v2  }
.Ltmp0:
0x47: {  	_ = 	snop;
	(pc) =	sbr.rel @p0 .LBB2_3-.Ltmp0, $2  }
0x48: {  	_ =	sdelay $0x2  }
0x49: {  	s16 =	sadd.s32 $0x100, s16;
	[tilespmem:v2+s4+$0x0] =	vst.idx.add.f32.msk vm15, v1  }
0x4a: {  	s15 =	sadd.s32 $0x1, s15  }
0x4b: {  	p0 =	sne.s32 s15, $0x4  }
.Ltmp1:
0x4c: {  	_ = 	snop;
	(pc) =	sbr.rel @p0 .LBB2_2-.Ltmp1, $1  }
0x4d: {  	_ =	sdelay $0x3  }
0x4e: {  	s14 =	sadd.s32 $0x1, s14  }
0x4f: {  	p0 =	sne.s32 s14, s8  }
.Ltmp2:
0x50: {  	_ = 	snop;
	(pc) =	sbr.rel @p0 .LBB2_1-.Ltmp2, $4  }
0x51: {  	[hbm4b:s7+s4] =	stream.linear.scatter [tilespmem:s4], [sflag:$0x1], $0x10000, $0x38;
	[tilespmem:$0x14000] =	vst v63  }
0x52: {  	_ =	swait.ge [sflag:s9], $0x10000  }
0x53: {  	[sflag:s9] =	ssyncset.done $0x0  }
0x54: {  	[sflag:s9] =	ssyncadd.s32 $0xFFFF0000  }
0x55: {  	_ =	sfence.sel $0x180000  }
0x56: {  	[bflag:$0x0] =	sbarrier.arrive $0xFFFF  }
0x57: {  	p0 =	sne.s32 s3, $0x0;
	_ =	strace $0x90000047  }
0x58: {  	s0 =	sadd.s32 @!p0 $0x100000, s0;
	[bflag:$0x2] =	sbarrier.arrive $0xFFFF  }
0x59: {  	[sflag:s0] =	ssyncadd.tile.s32 @!p0 $0x1;
	_ =	shalt  }
.Lfunc_end2:
_tile_overlayer_lowered:
.L_overlay_start_2:
0x5a: {  	(tag) =	ssettag $0x2  }
0x5b: {  	s0 =	rddreg [dreg:$0x0];
	s2 =	stileid.u32  }
0x5c: {  	s1 =	rddreg [dreg:$0x1];
	p0 =	sne.s32 s2, $0x0  }
0x5d: {  	s3 =	rddreg [dreg:$0x2];
	[bflag:$0x3] =	sbarrier.arrive $0xFFFF;
	s2 =	simm.s32 @!p0 $0x1C01  }
0x5e: {  	[timem:s3], [sflag:s2] =	dma.local @!p0 [hbm:s0], s1  }
0x5f: {  	s0 =	simm.s32 @!p0 $0x1  }
0x60: {  	_ =	swait.ge @!p0 [sflag:s0], s1  }
0x61: {  	s1 =	ssub.s32 @!p0 $0x0, s1;
	[sflag:s0] =	ssyncset.done @!p0 $0x0  }
0x62: {  	[sflag:s0] =	ssyncadd.s32 @!p0 s1  }
0x63: {  	[bflag:$0x3] =	sbarrier.arrive $0xFFFF  }
0x64: {  	_ =	shalt  }

</sc_bundles>
